<compile_context>
chip_gen: v7x
topology: tpu7x:2x2x1
jax: 0.10.2.dev20260603
libtpu: 0.0.44.dev20260713+nightly
codegen_flags: <defaults>
</compile_context>

<pallas_src>
import functools

import jax
import jax.numpy as jnp
from jax import lax
from jax.experimental import pallas as pl
from jax.experimental.pallas import tpu as pltpu
from jax.experimental.pallas import tpu_sc as plsc

R, C = 16384, 200
D = 64
N = R * C

NC, NS = 2, 16
NW = NC * NS
PER_W = N // NW
CHUNK = 128
SUP = 512
GPC = SUP // CHUNK
NSUP = PER_W // SUP

_mesh = plsc.VectorSubcoreMesh(core_axis_name="c", subcore_axis_name="s")


@functools.partial(
    pl.kernel,
    mesh=_mesh,
    out_type=jax.ShapeDtypeStruct((N, 128), jnp.float32),
    scratch_types=[
        pltpu.VMEM((SUP,), jnp.int32),
        pltpu.VMEM((SUP,), jnp.int32),
        pltpu.VMEM((SUP, D), jnp.float32),
        pltpu.VMEM((SUP, D), jnp.float32),
        pltpu.VMEM_SHARED((8, D), jnp.float32),
        pltpu.SemaphoreType.DMA,
        pltpu.SemaphoreType.DMA,
        pltpu.SemaphoreType.DMA,
        pltpu.SemaphoreType.DMA,
        pltpu.SemaphoreType.DMA,
    ],
    compiler_params=pltpu.CompilerParams(use_tc_tiling_on_sc=False),
)
def _emb_lookup(idx_hbm, tab_hbm, out_hbm, idx0, idx1, rows0, rows1, tab_v,
                s_idx0, s_idx1, s_gat, s_out0, s_out1):
    wid = lax.axis_index("s") * NC + lax.axis_index("c")
    w_base = wid * PER_W
    @pl.when(lax.axis_index("s") == 0)
    def _():
        pltpu.sync_copy(tab_hbm, tab_v)

    plsc.subcore_barrier()
    idx_b = (idx0, idx1)
    rows_b = (rows0, rows1)
    s_idx = (s_idx0, s_idx1)
    s_out = (s_out0, s_out1)

    def idx_start(g, b):
        pltpu.async_copy(idx_hbm.at[pl.ds(w_base + g * SUP, SUP)],
                         idx_b[b], s_idx[b])

    def idx_wait(b):
        pltpu.make_async_copy(idx_hbm.at[pl.ds(0, SUP)],
                              idx_b[b], s_idx[b]).wait()

    def out_start(g, b):
        pltpu.async_copy(rows_b[b],
                         out_hbm.at[pl.ds(w_base + g * SUP, SUP), pl.ds(0, D)],
                         s_out[b])

    def out_wait(b):
        pltpu.make_async_copy(rows_b[b],
                              out_hbm.at[pl.ds(0, SUP), pl.ds(0, D)],
                              s_out[b]).wait()

    idx_start(0, 0)
    idx_start(1, 1)

    def pair(p, carry):
        for b in range(2):
            g = 2 * p + b

            @pl.when(p > 0)
            def _():
                out_wait(b)

            idx_wait(b)
            for j in range(GPC):
                pltpu.async_copy(
                    tab_v.at[idx_b[b].at[pl.ds(j * CHUNK, CHUNK)]],
                    rows_b[b].at[pl.ds(j * CHUNK, CHUNK)], s_gat)
            for j in range(GPC):
                pltpu.make_async_copy(
                    tab_v.at[idx_b[b].at[pl.ds(0, CHUNK)]],
                    rows_b[b].at[pl.ds(0, CHUNK)], s_gat).wait()

            @pl.when(g + 2 < NSUP)
            def _():
                idx_start(g + 2, b)

            out_start(g, b)
        return carry

    lax.fori_loop(0, NSUP // 2, pair, 0)
    out_wait(0)
    out_wait(1)


def kernel(onehot, emb_weight):
    flat = onehot.reshape(N)
    out = _emb_lookup(flat, emb_weight)
    return out[:, :D].reshape(R, C, D)

# --- scband reference (transcript-rebuilt; emitter-appended) ---
"""Pipeline reference for scband-embedder-884763263095 (READ-ONLY COPY).

The authoritative reference and input builder live on the scoring server;
editing this copy changes nothing except your own understanding.
"""

import jax, jax.numpy as jnp
import numpy as np


def setup_inputs(seed: int = 0) -> dict:
    key = jax.random.key(seed)
    k1, k2 = jax.random.split(key)
    onehot = jax.random.randint(k1, (16384, 200), 0, 8, dtype=jnp.int32)
    # nn.Embedding(8, dim_emb) weight, default init ~ N(0, 1)
    emb_weight = jax.random.normal(k2, (8, 64), dtype=jnp.float32)
    return {"onehot": onehot, "emb_weight": emb_weight}


def reference(onehot, emb_weight):
    # Faithful translation of nn.Embedding lookup: out[i, j] = emb_weight[onehot[i, j]]
    return jnp.take(emb_weight, onehot, axis=0)

if __name__ == "__main__":
    import jax
    _d = setup_inputs()
    print(jax.jit(kernel)(*tuple(_d.values())))

</pallas_src>

<mosaic_0001>
#map = affine_map<(d0, d1) -> (0)>
#map1 = affine_map<(d0, d1) -> (0, 0)>
module attributes {stable_mosaic.version = 14 : i64} {
  func.func @_emb_lookup(%arg0: i32, %arg1: i32, %arg2: memref<3276800xi32, #tpu.memory_space<hbm>>, %arg3: memref<8x64xf32, #tpu.memory_space<hbm>>, %arg4: memref<3276800x128xf32, #tpu.memory_space<hbm>>, %arg5: memref<512xi32, #tpu.memory_space<vmem>>, %arg6: memref<512xi32, #tpu.memory_space<vmem>>, %arg7: memref<512x64xf32, #tpu.memory_space<vmem>>, %arg8: memref<512x64xf32, #tpu.memory_space<vmem>>, %arg9: memref<8x64xf32, #tpu.memory_space<vmem_shared>>, %arg10: memref<!tpu.dma_semaphore, #tpu.memory_space<semaphore_mem>>, %arg11: memref<!tpu.dma_semaphore, #tpu.memory_space<semaphore_mem>>, %arg12: memref<!tpu.dma_semaphore, #tpu.memory_space<semaphore_mem>>, %arg13: memref<!tpu.dma_semaphore, #tpu.memory_space<semaphore_mem>>, %arg14: memref<!tpu.dma_semaphore, #tpu.memory_space<semaphore_mem>>) attributes {dimension_semantics = [#tpu.dimension_semantics<core_parallel>, #tpu.dimension_semantics<subcore_parallel>], iteration_bounds = array<i64: 2, 16>, scalar_prefetch = 0 : i64, scratch_operands = 10 : i64, tpu.core_type = #tpu.core_type<sc_vector_subcore>, window_params = [{transform_indices = #map}, {transform_indices = #map1}, {transform_indices = #map1}]} {
    %mul3A = arith.constant 2 : i32
    %mul3A_0 = arith.muli %arg1, %mul3A : i32
    %add3A = arith.addi %mul3A_0, %arg0 : i32
    %mul3A_1 = arith.constant 102400 : i32
    %mul3A_2 = arith.muli %add3A, %mul3A_1 : i32
    %eq3A = arith.constant 0 : i32
    %eq3A_3 = arith.cmpi eq, %arg1, %eq3A : i32
    %convert_element_type3A = arith.extui %eq3A_3 : i1 to i32
    %cond3A = arith.constant 0 : i32
    %cond3A_4 = arith.cmpi ne, %convert_element_type3A, %cond3A : i32
    scf.if %cond3A_4 {
      "tpu.region"() ({
        %run_scoped3A = tpu.sem_alloc : memref<!tpu.dma_semaphore, #tpu.memory_space<semaphore_mem>>
        tpu.enqueue_dma source(%arg3 : memref<8x64xf32, #tpu.memory_space<hbm>>) target(%arg9 : memref<8x64xf32, #tpu.memory_space<vmem_shared>>) target_semaphore(%run_scoped3A : memref<!tpu.dma_semaphore, #tpu.memory_space<semaphore_mem>>)
        tpu.wait_dma2 semaphore(%run_scoped3A : memref<!tpu.dma_semaphore, #tpu.memory_space<semaphore_mem>>) src(%arg3 : memref<8x64xf32, #tpu.memory_space<hbm>>) dst(%arg9 : memref<8x64xf32, #tpu.memory_space<vmem_shared>>)
        tpu.yield
      }) : () -> ()
    } else {
    }
    %barrier3A = arith.constant 0 : index
    tpu.barrier barrier_id(%barrier3A)
    %add3A_5 = arith.constant 0 : i32
    %add3A_6 = arith.addi %mul3A_2, %add3A_5 : i32
    %dma_start3A = tpu.memref_slice %arg2[%add3A_6] : memref<3276800xi32, #tpu.memory_space<hbm>> -> memref<512xi32, #tpu.memory_space<hbm>>
    %dma_start3A_7 = tpu.memref_slice %arg2[%add3A_6] : memref<3276800xi32, #tpu.memory_space<hbm>> -> memref<512xi32, #tpu.memory_space<hbm>>
    tpu.enqueue_dma source(%dma_start3A_7 : memref<512xi32, #tpu.memory_space<hbm>>) target(%arg5 : memref<512xi32, #tpu.memory_space<vmem>>) target_semaphore(%arg10 : memref<!tpu.dma_semaphore, #tpu.memory_space<semaphore_mem>>)
    %add3A_8 = arith.constant 512 : i32
    %add3A_9 = arith.addi %mul3A_2, %add3A_8 : i32
    %dma_start3A_10 = tpu.memref_slice %arg2[%add3A_9] : memref<3276800xi32, #tpu.memory_space<hbm>> -> memref<512xi32, #tpu.memory_space<hbm>>
    %dma_start3A_11 = tpu.memref_slice %arg2[%add3A_9] : memref<3276800xi32, #tpu.memory_space<hbm>> -> memref<512xi32, #tpu.memory_space<hbm>>
    tpu.enqueue_dma source(%dma_start3A_11 : memref<512xi32, #tpu.memory_space<hbm>>) target(%arg6 : memref<512xi32, #tpu.memory_space<vmem>>) target_semaphore(%arg11 : memref<!tpu.dma_semaphore, #tpu.memory_space<semaphore_mem>>)
    %scan3A = arith.constant 0 : i32
    %scan3A_12 = arith.constant 0 : i32
    %scan3A_13 = arith.constant 100 : i32
    %scan3A_14 = arith.addi %scan3A_12, %scan3A_13 : i32
    %scan3A_15 = arith.constant 1 : i32
    scf.for %scan3A_28 = %scan3A_12 to %scan3A_14 step %scan3A_15  : i32 {
      %mul3A_29 = arith.constant 2 : i32
      %mul3A_30 = arith.muli %mul3A_29, %scan3A_28 : i32
      %add3A_31 = arith.constant 0 : i32
      %add3A_32 = arith.addi %mul3A_30, %add3A_31 : i32
      %gt3A = arith.constant 0 : i32
      %gt3A_33 = arith.cmpi sgt, %scan3A_28, %gt3A : i32
      %convert_element_type3A_34 = arith.extui %gt3A_33 : i1 to i32
      %cond3A_35 = arith.constant 0 : i32
      %cond3A_36 = arith.cmpi ne, %convert_element_type3A_34, %cond3A_35 : i32
      scf.if %cond3A_36 {
        %dma_wait3A_209 = arith.constant 0 : i32
        %dma_wait3A_210 = arith.constant 0 : i32
        %dma_wait3A_211 = tpu.memref_slice %arg4[%dma_wait3A_209, %dma_wait3A_210] : memref<3276800x128xf32, #tpu.memory_space<hbm>> -> memref<512x64xf32, #tpu.memory_space<hbm>>
        %dma_wait3A_212 = arith.constant 0 : i32
        %dma_wait3A_213 = arith.constant 0 : i32
        %dma_wait3A_214 = tpu.memref_slice %arg4[%dma_wait3A_212, %dma_wait3A_213] : memref<3276800x128xf32, #tpu.memory_space<hbm>> -> memref<512x64xf32, #tpu.memory_space<hbm>>
        tpu.wait_dma2 semaphore(%arg13 : memref<!tpu.dma_semaphore, #tpu.memory_space<semaphore_mem>>) src(%arg7 : memref<512x64xf32, #tpu.memory_space<vmem>>) dst(%dma_wait3A_214 : memref<512x64xf32, #tpu.memory_space<hbm>>)
      } else {
      }
      %dma_wait3A_37 = arith.constant 0 : i32
      %dma_wait3A_38 = tpu.memref_slice %arg2[%dma_wait3A_37] : memref<3276800xi32, #tpu.memory_space<hbm>> -> memref<512xi32, #tpu.memory_space<hbm>>
      %dma_wait3A_39 = arith.constant 0 : i32
      %dma_wait3A_40 = tpu.memref_slice %arg2[%dma_wait3A_39] : memref<3276800xi32, #tpu.memory_space<hbm>> -> memref<512xi32, #tpu.memory_space<hbm>>
      tpu.wait_dma2 semaphore(%arg10 : memref<!tpu.dma_semaphore, #tpu.memory_space<semaphore_mem>>) src(%dma_wait3A_40 : memref<512xi32, #tpu.memory_space<hbm>>) dst(%arg5 : memref<512xi32, #tpu.memory_space<vmem>>)
      %dma_start3A_41 = arith.constant 0 : i32
      %dma_start3A_42 = arith.constant 0 : i32
      %dma_start3A_43 = tpu.memref_slice %arg7[%dma_start3A_41, %dma_start3A_42] : memref<512x64xf32, #tpu.memory_space<vmem>> -> memref<128x64xf32, #tpu.memory_space<vmem>>
      %dma_start3A_44 = arith.constant 0 : i32
      %dma_start3A_45 = tpu.memref_slice %arg5[%dma_start3A_44] : memref<512xi32, #tpu.memory_space<vmem>> -> memref<128xi32, #tpu.memory_space<vmem>>
      %dma_start3A_46 = arith.constant 0 : i32
      %dma_start3A_47 = arith.constant 0 : i32
      %dma_start3A_48 = tpu.memref_slice %arg9[%dma_start3A_46, %dma_start3A_47] : memref<8x64xf32, #tpu.memory_space<vmem_shared>> -> memref<8x64xf32, #tpu.memory_space<vmem_shared>>
      tpu.enqueue_indirect_dma source(%dma_start3A_48 : memref<8x64xf32, #tpu.memory_space<vmem_shared>>) target(%dma_start3A_43 : memref<128x64xf32, #tpu.memory_space<vmem>>) offsets(%dma_start3A_45 : memref<128xi32, #tpu.memory_space<vmem>>) semaphore(%arg12 : memref<!tpu.dma_semaphore, #tpu.memory_space<semaphore_mem>>)
      %dma_start3A_49 = arith.constant 128 : i32
      %dma_start3A_50 = arith.constant 0 : i32
      %dma_start3A_51 = tpu.memref_slice %arg7[%dma_start3A_49, %dma_start3A_50] : memref<512x64xf32, #tpu.memory_space<vmem>> -> memref<128x64xf32, #tpu.memory_space<vmem>>
      %dma_start3A_52 = arith.constant 128 : i32
      %dma_start3A_53 = tpu.memref_slice %arg5[%dma_start3A_52] : memref<512xi32, #tpu.memory_space<vmem>> -> memref<128xi32, #tpu.memory_space<vmem>>
      %dma_start3A_54 = arith.constant 0 : i32
      %dma_start3A_55 = arith.constant 0 : i32
      %dma_start3A_56 = tpu.memref_slice %arg9[%dma_start3A_54, %dma_start3A_55] : memref<8x64xf32, #tpu.memory_space<vmem_shared>> -> memref<8x64xf32, #tpu.memory_space<vmem_shared>>
      tpu.enqueue_indirect_dma source(%dma_start3A_56 : memref<8x64xf32, #tpu.memory_space<vmem_shared>>) target(%dma_start3A_51 : memref<128x64xf32, #tpu.memory_space<vmem>>) offsets(%dma_start3A_53 : memref<128xi32, #tpu.memory_space<vmem>>) semaphore(%arg12 : memref<!tpu.dma_semaphore, #tpu.memory_space<semaphore_mem>>)
      %dma_start3A_57 = arith.constant 256 : i32
      %dma_start3A_58 = arith.constant 0 : i32
      %dma_start3A_59 = tpu.memref_slice %arg7[%dma_start3A_57, %dma_start3A_58] : memref<512x64xf32, #tpu.memory_space<vmem>> -> memref<128x64xf32, #tpu.memory_space<vmem>>
      %dma_start3A_60 = arith.constant 256 : i32
      %dma_start3A_61 = tpu.memref_slice %arg5[%dma_start3A_60] : memref<512xi32, #tpu.memory_space<vmem>> -> memref<128xi32, #tpu.memory_space<vmem>>
      %dma_start3A_62 = arith.constant 0 : i32
      %dma_start3A_63 = arith.constant 0 : i32
      %dma_start3A_64 = tpu.memref_slice %arg9[%dma_start3A_62, %dma_start3A_63] : memref<8x64xf32, #tpu.memory_space<vmem_shared>> -> memref<8x64xf32, #tpu.memory_space<vmem_shared>>
      tpu.enqueue_indirect_dma source(%dma_start3A_64 : memref<8x64xf32, #tpu.memory_space<vmem_shared>>) target(%dma_start3A_59 : memref<128x64xf32, #tpu.memory_space<vmem>>) offsets(%dma_start3A_61 : memref<128xi32, #tpu.memory_space<vmem>>) semaphore(%arg12 : memref<!tpu.dma_semaphore, #tpu.memory_space<semaphore_mem>>)
      %dma_start3A_65 = arith.constant 384 : i32
      %dma_start3A_66 = arith.constant 0 : i32
      %dma_start3A_67 = tpu.memref_slice %arg7[%dma_start3A_65, %dma_start3A_66] : memref<512x64xf32, #tpu.memory_space<vmem>> -> memref<128x64xf32, #tpu.memory_space<vmem>>
      %dma_start3A_68 = arith.constant 384 : i32
      %dma_start3A_69 = tpu.memref_slice %arg5[%dma_start3A_68] : memref<512xi32, #tpu.memory_space<vmem>> -> memref<128xi32, #tpu.memory_space<vmem>>
      %dma_start3A_70 = arith.constant 0 : i32
      %dma_start3A_71 = arith.constant 0 : i32
      %dma_start3A_72 = tpu.memref_slice %arg9[%dma_start3A_70, %dma_start3A_71] : memref<8x64xf32, #tpu.memory_space<vmem_shared>> -> memref<8x64xf32, #tpu.memory_space<vmem_shared>>
      tpu.enqueue_indirect_dma source(%dma_start3A_72 : memref<8x64xf32, #tpu.memory_space<vmem_shared>>) target(%dma_start3A_67 : memref<128x64xf32, #tpu.memory_space<vmem>>) offsets(%dma_start3A_69 : memref<128xi32, #tpu.memory_space<vmem>>) semaphore(%arg12 : memref<!tpu.dma_semaphore, #tpu.memory_space<semaphore_mem>>)
      %dma_wait3A_73 = arith.constant 0 : i32
      %dma_wait3A_74 = arith.constant 0 : i32
      %dma_wait3A_75 = tpu.memref_slice %arg7[%dma_wait3A_73, %dma_wait3A_74] : memref<512x64xf32, #tpu.memory_space<vmem>> -> memref<128x64xf32, #tpu.memory_space<vmem>>
      %dma_wait3A_76 = arith.constant 0 : i32
      %dma_wait3A_77 = tpu.memref_slice %arg5[%dma_wait3A_76] : memref<512xi32, #tpu.memory_space<vmem>> -> memref<128xi32, #tpu.memory_space<vmem>>
      %dma_wait3A_78 = arith.constant 0 : i32
      %dma_wait3A_79 = arith.constant 0 : i32
      %dma_wait3A_80 = tpu.memref_slice %arg9[%dma_wait3A_78, %dma_wait3A_79] : memref<8x64xf32, #tpu.memory_space<vmem_shared>> -> memref<8x64xf32, #tpu.memory_space<vmem_shared>>
      tpu.wait_indirect_dma semaphore(%arg12 : memref<!tpu.dma_semaphore, #tpu.memory_space<semaphore_mem>>) src(%dma_wait3A_80 : memref<8x64xf32, #tpu.memory_space<vmem_shared>>) dst(%dma_wait3A_75 : memref<128x64xf32, #tpu.memory_space<vmem>>)
      %dma_wait3A_81 = arith.constant 0 : i32
      %dma_wait3A_82 = arith.constant 0 : i32
      %dma_wait3A_83 = tpu.memref_slice %arg7[%dma_wait3A_81, %dma_wait3A_82] : memref<512x64xf32, #tpu.memory_space<vmem>> -> memref<128x64xf32, #tpu.memory_space<vmem>>
      %dma_wait3A_84 = arith.constant 0 : i32
      %dma_wait3A_85 = tpu.memref_slice %arg5[%dma_wait3A_84] : memref<512xi32, #tpu.memory_space<vmem>> -> memref<128xi32, #tpu.memory_space<vmem>>
      %dma_wait3A_86 = arith.constant 0 : i32
      %dma_wait3A_87 = arith.constant 0 : i32
      %dma_wait3A_88 = tpu.memref_slice %arg9[%dma_wait3A_86, %dma_wait3A_87] : memref<8x64xf32, #tpu.memory_space<vmem_shared>> -> memref<8x64xf32, #tpu.memory_space<vmem_shared>>
      tpu.wait_indirect_dma semaphore(%arg12 : memref<!tpu.dma_semaphore, #tpu.memory_space<semaphore_mem>>) src(%dma_wait3A_88 : memref<8x64xf32, #tpu.memory_space<vmem_shared>>) dst(%dma_wait3A_83 : memref<128x64xf32, #tpu.memory_space<vmem>>)
      %dma_wait3A_89 = arith.constant 0 : i32
      %dma_wait3A_90 = arith.constant 0 : i32
      %dma_wait3A_91 = tpu.memref_slice %arg7[%dma_wait3A_89, %dma_wait3A_90] : memref<512x64xf32, #tpu.memory_space<vmem>> -> memref<128x64xf32, #tpu.memory_space<vmem>>
      %dma_wait3A_92 = arith.constant 0 : i32
      %dma_wait3A_93 = tpu.memref_slice %arg5[%dma_wait3A_92] : memref<512xi32, #tpu.memory_space<vmem>> -> memref<128xi32, #tpu.memory_space<vmem>>
      %dma_wait3A_94 = arith.constant 0 : i32
      %dma_wait3A_95 = arith.constant 0 : i32
      %dma_wait3A_96 = tpu.memref_slice %arg9[%dma_wait3A_94, %dma_wait3A_95] : memref<8x64xf32, #tpu.memory_space<vmem_shared>> -> memref<8x64xf32, #tpu.memory_space<vmem_shared>>
      tpu.wait_indirect_dma semaphore(%arg12 : memref<!tpu.dma_semaphore, #tpu.memory_space<semaphore_mem>>) src(%dma_wait3A_96 : memref<8x64xf32, #tpu.memory_space<vmem_shared>>) dst(%dma_wait3A_91 : memref<128x64xf32, #tpu.memory_space<vmem>>)
      %dma_wait3A_97 = arith.constant 0 : i32
      %dma_wait3A_98 = arith.constant 0 : i32
      %dma_wait3A_99 = tpu.memref_slice %arg7[%dma_wait3A_97, %dma_wait3A_98] : memref<512x64xf32, #tpu.memory_space<vmem>> -> memref<128x64xf32, #tpu.memory_space<vmem>>
      %dma_wait3A_100 = arith.constant 0 : i32
      %dma_wait3A_101 = tpu.memref_slice %arg5[%dma_wait3A_100] : memref<512xi32, #tpu.memory_space<vmem>> -> memref<128xi32, #tpu.memory_space<vmem>>
      %dma_wait3A_102 = arith.constant 0 : i32
      %dma_wait3A_103 = arith.constant 0 : i32
      %dma_wait3A_104 = tpu.memref_slice %arg9[%dma_wait3A_102, %dma_wait3A_103] : memref<8x64xf32, #tpu.memory_space<vmem_shared>> -> memref<8x64xf32, #tpu.memory_space<vmem_shared>>
      tpu.wait_indirect_dma semaphore(%arg12 : memref<!tpu.dma_semaphore, #tpu.memory_space<semaphore_mem>>) src(%dma_wait3A_104 : memref<8x64xf32, #tpu.memory_space<vmem_shared>>) dst(%dma_wait3A_99 : memref<128x64xf32, #tpu.memory_space<vmem>>)
      %add3A_105 = arith.constant 2 : i32
      %add3A_106 = arith.addi %add3A_32, %add3A_105 : i32
      %lt3A = arith.constant 200 : i32
      %lt3A_107 = arith.cmpi slt, %add3A_106, %lt3A : i32
      %convert_element_type3A_108 = arith.extui %lt3A_107 : i1 to i32
      %cond3A_109 = arith.constant 0 : i32
      %cond3A_110 = arith.cmpi ne, %convert_element_type3A_108, %cond3A_109 : i32
      scf.if %cond3A_110 {
        %add3A_209 = arith.constant 2 : i32
        %add3A_210 = arith.addi %add3A_32, %add3A_209 : i32
        %mul3A_211 = arith.constant 512 : i32
        %mul3A_212 = arith.muli %add3A_210, %mul3A_211 : i32
        %add3A_213 = arith.addi %mul3A_2, %mul3A_212 : i32
        %dma_start3A_214 = tpu.memref_slice %arg2[%add3A_213] : memref<3276800xi32, #tpu.memory_space<hbm>> -> memref<512xi32, #tpu.memory_space<hbm>>
        %dma_start3A_215 = tpu.memref_slice %arg2[%add3A_213] : memref<3276800xi32, #tpu.memory_space<hbm>> -> memref<512xi32, #tpu.memory_space<hbm>>
        tpu.enqueue_dma source(%dma_start3A_215 : memref<512xi32, #tpu.memory_space<hbm>>) target(%arg5 : memref<512xi32, #tpu.memory_space<vmem>>) target_semaphore(%arg10 : memref<!tpu.dma_semaphore, #tpu.memory_space<semaphore_mem>>)
      } else {
      }
      %mul3A_111 = arith.constant 512 : i32
      %mul3A_112 = arith.muli %add3A_32, %mul3A_111 : i32
      %add3A_113 = arith.addi %mul3A_2, %mul3A_112 : i32
      %dma_start3A_114 = arith.constant 0 : i32
      %dma_start3A_115 = tpu.memref_slice %arg4[%add3A_113, %dma_start3A_114] : memref<3276800x128xf32, #tpu.memory_space<hbm>> -> memref<512x64xf32, #tpu.memory_space<hbm>>
      %dma_start3A_116 = arith.constant 0 : i32
      %dma_start3A_117 = tpu.memref_slice %arg4[%add3A_113, %dma_start3A_116] : memref<3276800x128xf32, #tpu.memory_space<hbm>> -> memref<512x64xf32, #tpu.memory_space<hbm>>
      tpu.enqueue_dma source(%arg7 : memref<512x64xf32, #tpu.memory_space<vmem>>) target(%dma_start3A_117 : memref<512x64xf32, #tpu.memory_space<hbm>>) target_semaphore(%arg13 : memref<!tpu.dma_semaphore, #tpu.memory_space<semaphore_mem>>)
      %mul3A_118 = arith.constant 2 : i32
      %mul3A_119 = arith.muli %mul3A_118, %scan3A_28 : i32
      %add3A_120 = arith.constant 1 : i32
      %add3A_121 = arith.addi %mul3A_119, %add3A_120 : i32
      %gt3A_122 = arith.constant 0 : i32
      %gt3A_123 = arith.cmpi sgt, %scan3A_28, %gt3A_122 : i32
      %convert_element_type3A_124 = arith.extui %gt3A_123 : i1 to i32
      %cond3A_125 = arith.constant 0 : i32
      %cond3A_126 = arith.cmpi ne, %convert_element_type3A_124, %cond3A_125 : i32
      scf.if %cond3A_126 {
        %dma_wait3A_209 = arith.constant 0 : i32
        %dma_wait3A_210 = arith.constant 0 : i32
        %dma_wait3A_211 = tpu.memref_slice %arg4[%dma_wait3A_209, %dma_wait3A_210] : memref<3276800x128xf32, #tpu.memory_space<hbm>> -> memref<512x64xf32, #tpu.memory_space<hbm>>
        %dma_wait3A_212 = arith.constant 0 : i32
        %dma_wait3A_213 = arith.constant 0 : i32
        %dma_wait3A_214 = tpu.memref_slice %arg4[%dma_wait3A_212, %dma_wait3A_213] : memref<3276800x128xf32, #tpu.memory_space<hbm>> -> memref<512x64xf32, #tpu.memory_space<hbm>>
        tpu.wait_dma2 semaphore(%arg14 : memref<!tpu.dma_semaphore, #tpu.memory_space<semaphore_mem>>) src(%arg8 : memref<512x64xf32, #tpu.memory_space<vmem>>) dst(%dma_wait3A_214 : memref<512x64xf32, #tpu.memory_space<hbm>>)
      } else {
      }
      %dma_wait3A_127 = arith.constant 0 : i32
      %dma_wait3A_128 = tpu.memref_slice %arg2[%dma_wait3A_127] : memref<3276800xi32, #tpu.memory_space<hbm>> -> memref<512xi32, #tpu.memory_space<hbm>>
      %dma_wait3A_129 = arith.constant 0 : i32
      %dma_wait3A_130 = tpu.memref_slice %arg2[%dma_wait3A_129] : memref<3276800xi32, #tpu.memory_space<hbm>> -> memref<512xi32, #tpu.memory_space<hbm>>
      tpu.wait_dma2 semaphore(%arg11 : memref<!tpu.dma_semaphore, #tpu.memory_space<semaphore_mem>>) src(%dma_wait3A_130 : memref<512xi32, #tpu.memory_space<hbm>>) dst(%arg6 : memref<512xi32, #tpu.memory_space<vmem>>)
      %dma_start3A_131 = arith.constant 0 : i32
      %dma_start3A_132 = arith.constant 0 : i32
      %dma_start3A_133 = tpu.memref_slice %arg8[%dma_start3A_131, %dma_start3A_132] : memref<512x64xf32, #tpu.memory_space<vmem>> -> memref<128x64xf32, #tpu.memory_space<vmem>>
      %dma_start3A_134 = arith.constant 0 : i32
      %dma_start3A_135 = tpu.memref_slice %arg6[%dma_start3A_134] : memref<512xi32, #tpu.memory_space<vmem>> -> memref<128xi32, #tpu.memory_space<vmem>>
      %dma_start3A_136 = arith.constant 0 : i32
      %dma_start3A_137 = arith.constant 0 : i32
      %dma_start3A_138 = tpu.memref_slice %arg9[%dma_start3A_136, %dma_start3A_137] : memref<8x64xf32, #tpu.memory_space<vmem_shared>> -> memref<8x64xf32, #tpu.memory_space<vmem_shared>>
      tpu.enqueue_indirect_dma source(%dma_start3A_138 : memref<8x64xf32, #tpu.memory_space<vmem_shared>>) target(%dma_start3A_133 : memref<128x64xf32, #tpu.memory_space<vmem>>) offsets(%dma_start3A_135 : memref<128xi32, #tpu.memory_space<vmem>>) semaphore(%arg12 : memref<!tpu.dma_semaphore, #tpu.memory_space<semaphore_mem>>)
      %dma_start3A_139 = arith.constant 128 : i32
      %dma_start3A_140 = arith.constant 0 : i32
      %dma_start3A_141 = tpu.memref_slice %arg8[%dma_start3A_139, %dma_start3A_140] : memref<512x64xf32, #tpu.memory_space<vmem>> -> memref<128x64xf32, #tpu.memory_space<vmem>>
      %dma_start3A_142 = arith.constant 128 : i32
      %dma_start3A_143 = tpu.memref_slice %arg6[%dma_start3A_142] : memref<512xi32, #tpu.memory_space<vmem>> -> memref<128xi32, #tpu.memory_space<vmem>>
      %dma_start3A_144 = arith.constant 0 : i32
      %dma_start3A_145 = arith.constant 0 : i32
      %dma_start3A_146 = tpu.memref_slice %arg9[%dma_start3A_144, %dma_start3A_145] : memref<8x64xf32, #tpu.memory_space<vmem_shared>> -> memref<8x64xf32, #tpu.memory_space<vmem_shared>>
      tpu.enqueue_indirect_dma source(%dma_start3A_146 : memref<8x64xf32, #tpu.memory_space<vmem_shared>>) target(%dma_start3A_141 : memref<128x64xf32, #tpu.memory_space<vmem>>) offsets(%dma_start3A_143 : memref<128xi32, #tpu.memory_space<vmem>>) semaphore(%arg12 : memref<!tpu.dma_semaphore, #tpu.memory_space<semaphore_mem>>)
      %dma_start3A_147 = arith.constant 256 : i32
      %dma_start3A_148 = arith.constant 0 : i32
      %dma_start3A_149 = tpu.memref_slice %arg8[%dma_start3A_147, %dma_start3A_148] : memref<512x64xf32, #tpu.memory_space<vmem>> -> memref<128x64xf32, #tpu.memory_space<vmem>>
      %dma_start3A_150 = arith.constant 256 : i32
      %dma_start3A_151 = tpu.memref_slice %arg6[%dma_start3A_150] : memref<512xi32, #tpu.memory_space<vmem>> -> memref<128xi32, #tpu.memory_space<vmem>>
      %dma_start3A_152 = arith.constant 0 : i32
      %dma_start3A_153 = arith.constant 0 : i32
      %dma_start3A_154 = tpu.memref_slice %arg9[%dma_start3A_152, %dma_start3A_153] : memref<8x64xf32, #tpu.memory_space<vmem_shared>> -> memref<8x64xf32, #tpu.memory_space<vmem_shared>>
      tpu.enqueue_indirect_dma source(%dma_start3A_154 : memref<8x64xf32, #tpu.memory_space<vmem_shared>>) target(%dma_start3A_149 : memref<128x64xf32, #tpu.memory_space<vmem>>) offsets(%dma_start3A_151 : memref<128xi32, #tpu.memory_space<vmem>>) semaphore(%arg12 : memref<!tpu.dma_semaphore, #tpu.memory_space<semaphore_mem>>)
      %dma_start3A_155 = arith.constant 384 : i32
      %dma_start3A_156 = arith.constant 0 : i32
      %dma_start3A_157 = tpu.memref_slice %arg8[%dma_start3A_155, %dma_start3A_156] : memref<512x64xf32, #tpu.memory_space<vmem>> -> memref<128x64xf32, #tpu.memory_space<vmem>>
      %dma_start3A_158 = arith.constant 384 : i32
      %dma_start3A_159 = tpu.memref_slice %arg6[%dma_start3A_158] : memref<512xi32, #tpu.memory_space<vmem>> -> memref<128xi32, #tpu.memory_space<vmem>>
      %dma_start3A_160 = arith.constant 0 : i32
      %dma_start3A_161 = arith.constant 0 : i32
      %dma_start3A_162 = tpu.memref_slice %arg9[%dma_start3A_160, %dma_start3A_161] : memref<8x64xf32, #tpu.memory_space<vmem_shared>> -> memref<8x64xf32, #tpu.memory_space<vmem_shared>>
      tpu.enqueue_indirect_dma source(%dma_start3A_162 : memref<8x64xf32, #tpu.memory_space<vmem_shared>>) target(%dma_start3A_157 : memref<128x64xf32, #tpu.memory_space<vmem>>) offsets(%dma_start3A_159 : memref<128xi32, #tpu.memory_space<vmem>>) semaphore(%arg12 : memref<!tpu.dma_semaphore, #tpu.memory_space<semaphore_mem>>)
      %dma_wait3A_163 = arith.constant 0 : i32
      %dma_wait3A_164 = arith.constant 0 : i32
      %dma_wait3A_165 = tpu.memref_slice %arg8[%dma_wait3A_163, %dma_wait3A_164] : memref<512x64xf32, #tpu.memory_space<vmem>> -> memref<128x64xf32, #tpu.memory_space<vmem>>
      %dma_wait3A_166 = arith.constant 0 : i32
      %dma_wait3A_167 = tpu.memref_slice %arg6[%dma_wait3A_166] : memref<512xi32, #tpu.memory_space<vmem>> -> memref<128xi32, #tpu.memory_space<vmem>>
      %dma_wait3A_168 = arith.constant 0 : i32
      %dma_wait3A_169 = arith.constant 0 : i32
      %dma_wait3A_170 = tpu.memref_slice %arg9[%dma_wait3A_168, %dma_wait3A_169] : memref<8x64xf32, #tpu.memory_space<vmem_shared>> -> memref<8x64xf32, #tpu.memory_space<vmem_shared>>
      tpu.wait_indirect_dma semaphore(%arg12 : memref<!tpu.dma_semaphore, #tpu.memory_space<semaphore_mem>>) src(%dma_wait3A_170 : memref<8x64xf32, #tpu.memory_space<vmem_shared>>) dst(%dma_wait3A_165 : memref<128x64xf32, #tpu.memory_space<vmem>>)
      %dma_wait3A_171 = arith.constant 0 : i32
      %dma_wait3A_172 = arith.constant 0 : i32
      %dma_wait3A_173 = tpu.memref_slice %arg8[%dma_wait3A_171, %dma_wait3A_172] : memref<512x64xf32, #tpu.memory_space<vmem>> -> memref<128x64xf32, #tpu.memory_space<vmem>>
      %dma_wait3A_174 = arith.constant 0 : i32
      %dma_wait3A_175 = tpu.memref_slice %arg6[%dma_wait3A_174] : memref<512xi32, #tpu.memory_space<vmem>> -> memref<128xi32, #tpu.memory_space<vmem>>
      %dma_wait3A_176 = arith.constant 0 : i32
      %dma_wait3A_177 = arith.constant 0 : i32
      %dma_wait3A_178 = tpu.memref_slice %arg9[%dma_wait3A_176, %dma_wait3A_177] : memref<8x64xf32, #tpu.memory_space<vmem_shared>> -> memref<8x64xf32, #tpu.memory_space<vmem_shared>>
      tpu.wait_indirect_dma semaphore(%arg12 : memref<!tpu.dma_semaphore, #tpu.memory_space<semaphore_mem>>) src(%dma_wait3A_178 : memref<8x64xf32, #tpu.memory_space<vmem_shared>>) dst(%dma_wait3A_173 : memref<128x64xf32, #tpu.memory_space<vmem>>)
      %dma_wait3A_179 = arith.constant 0 : i32
      %dma_wait3A_180 = arith.constant 0 : i32
      %dma_wait3A_181 = tpu.memref_slice %arg8[%dma_wait3A_179, %dma_wait3A_180] : memref<512x64xf32, #tpu.memory_space<vmem>> -> memref<128x64xf32, #tpu.memory_space<vmem>>
      %dma_wait3A_182 = arith.constant 0 : i32
      %dma_wait3A_183 = tpu.memref_slice %arg6[%dma_wait3A_182] : memref<512xi32, #tpu.memory_space<vmem>> -> memref<128xi32, #tpu.memory_space<vmem>>
      %dma_wait3A_184 = arith.constant 0 : i32
      %dma_wait3A_185 = arith.constant 0 : i32
      %dma_wait3A_186 = tpu.memref_slice %arg9[%dma_wait3A_184, %dma_wait3A_185] : memref<8x64xf32, #tpu.memory_space<vmem_shared>> -> memref<8x64xf32, #tpu.memory_space<vmem_shared>>
      tpu.wait_indirect_dma semaphore(%arg12 : memref<!tpu.dma_semaphore, #tpu.memory_space<semaphore_mem>>) src(%dma_wait3A_186 : memref<8x64xf32, #tpu.memory_space<vmem_shared>>) dst(%dma_wait3A_181 : memref<128x64xf32, #tpu.memory_space<vmem>>)
      %dma_wait3A_187 = arith.constant 0 : i32
      %dma_wait3A_188 = arith.constant 0 : i32
      %dma_wait3A_189 = tpu.memref_slice %arg8[%dma_wait3A_187, %dma_wait3A_188] : memref<512x64xf32, #tpu.memory_space<vmem>> -> memref<128x64xf32, #tpu.memory_space<vmem>>
      %dma_wait3A_190 = arith.constant 0 : i32
      %dma_wait3A_191 = tpu.memref_slice %arg6[%dma_wait3A_190] : memref<512xi32, #tpu.memory_space<vmem>> -> memref<128xi32, #tpu.memory_space<vmem>>
      %dma_wait3A_192 = arith.constant 0 : i32
      %dma_wait3A_193 = arith.constant 0 : i32
      %dma_wait3A_194 = tpu.memref_slice %arg9[%dma_wait3A_192, %dma_wait3A_193] : memref<8x64xf32, #tpu.memory_space<vmem_shared>> -> memref<8x64xf32, #tpu.memory_space<vmem_shared>>
      tpu.wait_indirect_dma semaphore(%arg12 : memref<!tpu.dma_semaphore, #tpu.memory_space<semaphore_mem>>) src(%dma_wait3A_194 : memref<8x64xf32, #tpu.memory_space<vmem_shared>>) dst(%dma_wait3A_189 : memref<128x64xf32, #tpu.memory_space<vmem>>)
      %add3A_195 = arith.constant 2 : i32
      %add3A_196 = arith.addi %add3A_121, %add3A_195 : i32
      %lt3A_197 = arith.constant 200 : i32
      %lt3A_198 = arith.cmpi slt, %add3A_196, %lt3A_197 : i32
      %convert_element_type3A_199 = arith.extui %lt3A_198 : i1 to i32
      %cond3A_200 = arith.constant 0 : i32
      %cond3A_201 = arith.cmpi ne, %convert_element_type3A_199, %cond3A_200 : i32
      scf.if %cond3A_201 {
        %add3A_209 = arith.constant 2 : i32
        %add3A_210 = arith.addi %add3A_121, %add3A_209 : i32
        %mul3A_211 = arith.constant 512 : i32
        %mul3A_212 = arith.muli %add3A_210, %mul3A_211 : i32
        %add3A_213 = arith.addi %mul3A_2, %mul3A_212 : i32
        %dma_start3A_214 = tpu.memref_slice %arg2[%add3A_213] : memref<3276800xi32, #tpu.memory_space<hbm>> -> memref<512xi32, #tpu.memory_space<hbm>>
        %dma_start3A_215 = tpu.memref_slice %arg2[%add3A_213] : memref<3276800xi32, #tpu.memory_space<hbm>> -> memref<512xi32, #tpu.memory_space<hbm>>
        tpu.enqueue_dma source(%dma_start3A_215 : memref<512xi32, #tpu.memory_space<hbm>>) target(%arg6 : memref<512xi32, #tpu.memory_space<vmem>>) target_semaphore(%arg11 : memref<!tpu.dma_semaphore, #tpu.memory_space<semaphore_mem>>)
      } else {
      }
      %mul3A_202 = arith.constant 512 : i32
      %mul3A_203 = arith.muli %add3A_121, %mul3A_202 : i32
      %add3A_204 = arith.addi %mul3A_2, %mul3A_203 : i32
      %dma_start3A_205 = arith.constant 0 : i32
      %dma_start3A_206 = tpu.memref_slice %arg4[%add3A_204, %dma_start3A_205] : memref<3276800x128xf32, #tpu.memory_space<hbm>> -> memref<512x64xf32, #tpu.memory_space<hbm>>
      %dma_start3A_207 = arith.constant 0 : i32
      %dma_start3A_208 = tpu.memref_slice %arg4[%add3A_204, %dma_start3A_207] : memref<3276800x128xf32, #tpu.memory_space<hbm>> -> memref<512x64xf32, #tpu.memory_space<hbm>>
      tpu.enqueue_dma source(%arg8 : memref<512x64xf32, #tpu.memory_space<vmem>>) target(%dma_start3A_208 : memref<512x64xf32, #tpu.memory_space<hbm>>) target_semaphore(%arg14 : memref<!tpu.dma_semaphore, #tpu.memory_space<semaphore_mem>>)
    }
    %scan3A_16 = arith.constant 100 : i32
    %dma_wait3A = arith.constant 0 : i32
    %dma_wait3A_17 = arith.constant 0 : i32
    %dma_wait3A_18 = tpu.memref_slice %arg4[%dma_wait3A, %dma_wait3A_17] : memref<3276800x128xf32, #tpu.memory_space<hbm>> -> memref<512x64xf32, #tpu.memory_space<hbm>>
    %dma_wait3A_19 = arith.constant 0 : i32
    %dma_wait3A_20 = arith.constant 0 : i32
    %dma_wait3A_21 = tpu.memref_slice %arg4[%dma_wait3A_19, %dma_wait3A_20] : memref<3276800x128xf32, #tpu.memory_space<hbm>> -> memref<512x64xf32, #tpu.memory_space<hbm>>
    tpu.wait_dma2 semaphore(%arg13 : memref<!tpu.dma_semaphore, #tpu.memory_space<semaphore_mem>>) src(%arg7 : memref<512x64xf32, #tpu.memory_space<vmem>>) dst(%dma_wait3A_21 : memref<512x64xf32, #tpu.memory_space<hbm>>)
    %dma_wait3A_22 = arith.constant 0 : i32
    %dma_wait3A_23 = arith.constant 0 : i32
    %dma_wait3A_24 = tpu.memref_slice %arg4[%dma_wait3A_22, %dma_wait3A_23] : memref<3276800x128xf32, #tpu.memory_space<hbm>> -> memref<512x64xf32, #tpu.memory_space<hbm>>
    %dma_wait3A_25 = arith.constant 0 : i32
    %dma_wait3A_26 = arith.constant 0 : i32
    %dma_wait3A_27 = tpu.memref_slice %arg4[%dma_wait3A_25, %dma_wait3A_26] : memref<3276800x128xf32, #tpu.memory_space<hbm>> -> memref<512x64xf32, #tpu.memory_space<hbm>>
    tpu.wait_dma2 semaphore(%arg14 : memref<!tpu.dma_semaphore, #tpu.memory_space<semaphore_mem>>) src(%arg8 : memref<512x64xf32, #tpu.memory_space<vmem>>) dst(%dma_wait3A_27 : memref<512x64xf32, #tpu.memory_space<hbm>>)
    return
  }
}

</mosaic_0001>

<sc_bundles>
// kernel: kernel.3.cloned.1.call-start
scs
__scs_entry_jumppad:
0x0: {  	(pc) =	sbr.rel $0x88, $3  }
0x1: {  	(tag) =	ssettag $0x0;
	lr =	simm.s32 $0x1  }
0x2: {  	[smem:$0x3F9F] =	sst lr;
	_ =	strace $0xD0000000  }
0x3: {  	_ = 	snop  }
0x4: {  	_ = 	snop  }
0x5: {  	_ = 	snop  }
0x6: {  	_ = 	snop  }
0x7: {  	_ = 	snop  }
__scs_overlays_trampoline_lowered:
0x8: {  	[smem:$0x3FAE] =	sst s0  }
0x9: {  	[smem:$0x3FAF] =	sst s1  }
0xa: {  	[smem:$0x3FB0] =	sst s2  }
0xb: {  	[smem:$0x3FB1] =	sst s3  }
0xc: {  	[smem:$0x3FB2] =	sst s4  }
0xd: {  	[smem:$0x3FB3] =	sst s5  }
0xe: {  	[smem:$0x3FB4] =	sst s6  }
0xf: {  	[smem:$0x3FB5] =	sst s7  }
0x10: {  	[smem:$0x3FB6] =	sst s8  }
0x11: {  	[smem:$0x3FB7] =	sst s9;
	s0 =	simm.s32 @!p0 $0x0  }
0x12: {  	s1 =	sld [smem:$0x3F9D];
	s0 =	simm.s32 @p0 $0x1  }
0x13: {  	[smem:$0x3FB8] =	sst s0;
	s0 =	simm.s32 @!p1 $0x0  }
0x14: {  	s2 =	sld [smem:$0x3F9C];
	s0 =	simm.s32 @p1 $0x1  }
0x15: {  	[smem:$0x3FB9] =	sst s0;
	s0 =	simm.s32 @!p2 $0x0  }
0x16: {  	s3 =	sld [smem:$0x3FDB];
	s0 =	simm.s32 @p2 $0x1  }
0x17: {  	s4 =	simm.s32 $0x1BF5;
	[smem:$0x3FBB] =	sst s0  }
0x18: {  	s0 =	sld [smem:$0x3F9E];
	_ =	swait.ge [sflag:s4], $0x0  }
0x19: {  	s7 =	sld [smem:$0x3F9F]  }
0x1a: {  	s8 =	sadd.s32 $0xFFFFE003, lr  }
0x1b: {  	s9 =	sadd.s32 $0xFFFFFEF7, lr;
	s5 =	simm.s32 $0xFFFFFFFF;
	p2 =	slt.u32 s8, $0xFFFFF086  }
0x1c: {  	p1 =	slt.u32 s9, $0xF7A;
	s5 =	simm.s32 @!p2 $0x0  }
0x1d: {  	s5 =	simm.s32 @p1 $0x1;
	p0 =	seq.s32 s7, s2  }
0x1e: {  	s7 =	smul.u32 @!p0 $0xF7A, s2;
	p2 =	seq.s32 @!p0 s5, $0x0  }
0x1f: {  	s9 =	smul.u32 $0xF7A, s1;
	s8 =	simm.s32 @!p0 $0x1BF5;
	p2 =	por !p2, p0  }
0x20: {  	[sflag:s8] =	ssyncset.s32 @!p0 $0xFFFFF086;
	s6 =	sadd.s32 @!p0 s3, s7;
	s7 =	simm.s32 @!p0 $0x108  }
0x21: {  	s3 =	sadd.s32 s3, s9;
	s6 =	sadd.s32 @!p0 $0x88, s6;
	s7 =	simm.s32 @p2 $0x1082  }
0x22: {  	[simem:s7], [sflag:s8] =	dma.local @!p0 [hbm:s6], $0xF7A  }
0x23: {  	s9 =	sor.u32 $0xD0000000, s2;
	s6 =	simm.s32 $0x108;
	_ =	swait.ge @!p0 [sflag:s8], $0x0  }
0x24: {  	s3 =	sadd.s32 $0x88, s3;
	s6 =	simm.s32 @!p1 $0x1082;
	[sflag:s4] =	ssyncset.s32 $0xFFFFF086  }
0x25: {  	[simem:s6], [sflag:s4] =	dma.local [hbm:s3], $0xF7A  }
0x26: {  	[smem:$0x3F9F] =	sst s1;
	(tag) =	ssettag s2;
	_ =	strace s9  }
0x27: {  	s1 =	sld [smem:$0x3FAF]  }
0x28: {  	s2 =	sld [smem:$0x3FB0]  }
0x29: {  	s4 =	sld [smem:$0x3FB2]  }
0x2a: {  	p0 =	seq.s32 s5, $0x0;
	s5 =	sld [smem:$0x3FB3]  }
0x2b: {  	s6 =	sld [smem:$0x3FB4]  }
0x2c: {  	s7 =	sld [smem:$0x3FB5]  }
0x2d: {  	s3 =	simm.s32 $0x108;
	s8 =	sld [smem:$0x3FB6]  }
0x2e: {  	s3 =	simm.s32 @!p0 $0x1082;
	s9 =	sld [smem:$0x3FB7]  }
0x2f: {  	lr =	sadd.s32 s0, s3;
	s0 =	sld [smem:$0x3FAE]  }
0x30: {  	s3 =	sld [smem:$0x3FB1]  }
0x31: {  	[smem:$0x3FBA] =	sst s10  }
0x32: {  	s10 =	sld [smem:$0x3FB8];
	_ =	sdelay $0x3  }
0x33: {  	p0 =	seq.s32 s10, $0x1;
	s10 =	sld [smem:$0x3FBA];
	_ =	sdelay $0x3  }
0x34: {  	[smem:$0x3FBA] =	sst s10  }
0x35: {  	s10 =	sld [smem:$0x3FB9];
	_ =	sdelay $0x3  }
0x36: {  	p1 =	seq.s32 s10, $0x1;
	s10 =	sld [smem:$0x3FBA];
	_ =	sdelay $0x3  }
0x37: {  	[smem:$0x3FBA] =	sst s10  }
0x38: {  	s10 =	sld [smem:$0x3FBB]  }
0x39: {  	_ = 	snop;
	(pc) =	sbr.ind lr, $3  }
0x3a: {  	_ = 	snop  }
0x3b: {  	_ = 	snop  }
0x3c: {  	p2 =	seq.s32 s10, $0x1;
	s10 =	sld [smem:$0x3FBA]  }
0x3d: {  	_ =	shalt  }
0x3e: {  	_ =	shalt  }
0x3f: {  	_ =	shalt  }
0x40: {  	_ =	shalt  }
0x41: {  	_ =	shalt  }
0x42: {  	_ =	shalt  }
0x43: {  	_ =	shalt  }
0x44: {  	_ =	shalt  }
0x45: {  	_ =	shalt  }
0x46: {  	_ =	shalt  }
0x47: {  	_ =	shalt  }
0x48: {  	_ =	shalt  }
0x49: {  	_ =	shalt  }
0x4a: {  	_ =	shalt  }
0x4b: {  	_ =	shalt  }
0x4c: {  	_ =	shalt  }
0x4d: {  	_ =	shalt  }
0x4e: {  	_ =	shalt  }
0x4f: {  	_ =	shalt  }
0x50: {  	_ =	shalt  }
0x51: {  	_ =	shalt  }
0x52: {  	_ =	shalt  }
0x53: {  	_ =	shalt  }
0x54: {  	_ =	shalt  }
0x55: {  	_ =	shalt  }
0x56: {  	_ =	shalt  }
0x57: {  	_ =	shalt  }
0x58: {  	_ =	shalt  }
0x59: {  	_ =	shalt  }
0x5a: {  	_ =	shalt  }
0x5b: {  	_ =	shalt  }
0x5c: {  	_ =	shalt  }
0x5d: {  	_ =	shalt  }
0x5e: {  	_ =	shalt  }
0x5f: {  	_ =	shalt  }
0x60: {  	_ =	shalt  }
0x61: {  	_ =	shalt  }
0x62: {  	_ =	shalt  }
0x63: {  	_ =	shalt  }
0x64: {  	_ =	shalt  }
0x65: {  	_ =	shalt  }
0x66: {  	_ =	shalt  }
0x67: {  	_ =	shalt  }
0x68: {  	_ =	shalt  }
0x69: {  	_ =	shalt  }
0x6a: {  	_ =	shalt  }
0x6b: {  	_ =	shalt  }
0x6c: {  	_ =	shalt  }
0x6d: {  	_ =	shalt  }
0x6e: {  	_ =	shalt  }
0x6f: {  	_ =	shalt  }
0x70: {  	_ =	shalt  }
0x71: {  	_ =	shalt  }
0x72: {  	_ =	shalt  }
0x73: {  	_ =	shalt  }
0x74: {  	_ =	shalt  }
0x75: {  	_ =	shalt  }
0x76: {  	_ =	shalt  }
0x77: {  	_ =	shalt  }
0x78: {  	_ =	shalt  }
0x79: {  	_ =	shalt  }
0x7a: {  	_ =	shalt  }
0x7b: {  	_ =	shalt  }
0x7c: {  	_ =	shalt  }
0x7d: {  	_ =	shalt  }
0x7e: {  	_ =	shalt  }
0x7f: {  	_ =	shalt  }
0x80: {  	_ =	shalt  }
0x81: {  	_ =	shalt  }
0x82: {  	_ =	shalt  }
0x83: {  	_ =	shalt  }
0x84: {  	_ =	shalt  }
0x85: {  	_ =	shalt  }
0x86: {  	_ =	shalt  }
0x87: {  	_ =	shalt  }
.Lfunc_end0:
.L_simem_size_0:
called_computation.1_lowered:
.L_overlay_start_0:
0x88: {  	s2 =	sld [smem:$0x3FD9]  }
0x89: {  	s3 =	sld [smem:$0x3FFE];
	_ =	sdelay $0x1  }
0x8a: {  	s1 =	srdreg.scid  }
0x8b: {  	s0 =	sand.u32 $0x1, s1  }
0x8c: {  	s17 =	sshll.u32 s0, $0xA;
	s2 =	sadd.s32 s3, s2  }
0x8d: {  	s2 =	sadd.s32 s2, s17  }
0x8e: {  	[smem:$0x3FC6] =	sst s2  }
0x8f: {  	_ = 	snop  }
0x90: {  	s2 =	sld [smem:$0x3FD0];
	(tm) =	ssettm $0x1  }
0x91: {  	s18 =	sld [smem:$0x3FFB];
	_ =	sdelay $0x3  }
0x92: {  	_ =	strace s18  }
0x93: {  	s3 =	sld [smem:$0x3FFC];
	_ =	sdelay $0x3  }
0x94: {  	_ =	strace s3  }
0x95: {  	s3 =	sld [smem:$0x3FFD];
	_ =	sdelay $0x3  }
0x96: {  	_ =	strace s3  }
0x97: {  	_ =	strace $0x8FFFFFFF  }
0x98: {  	s19 =	sld [smem:$0x3FDB];
	_ =	sdelay $0x1  }
0x99: {  	s4 =	simm.s32 $_scs_section_size  }
0x9a: {  	s5 =	simm.s32 $_size__tile_overlayer_lowered;
	s6 =	simm.s32 $_tile_overlayer_lowered  }
0x9b: {  	s22 =	simm.s32 $0x1BFF;
	s21 =	sshll.u32 s6, $0x1;
	s3 =	sadd.s32 s4, s19  }
0x9c: {  	s7 =	simm.s32 $0x0;
	s20 =	sshll.u32 s5, $0x1;
	s5 =	sadd.s32 s21, s3  }
0x9d: {  	[timem:s7], [sflag:s22] =	dma.local [hbm:s5], s20  }
0x9e: {  	_ =	swait.ge [sflag:s22], s20  }
0x9f: {  	s4 =	ssub.s32 $0x0, s20;
	[sflag:s22] =	ssyncset.done $0x0  }
0xa0: {  	[sflag:s22] =	ssyncadd.s32 s4;
	_ =	sdelay $0x1  }
0xa1: {  	s23 =	simm.s32 $0x1B8B  }
0xa2: {  	_ =	swait.ge [sflag:s23], $0x1  }
0xa3: {  	[sflag:s23] =	ssyncset.done $0x0  }
0xa4: {  	s25 =	simm.s32 $0x1B8E;
	s24 =	sld [smem:$0x3FFE];
	[sflag:s23] =	ssyncadd.s32 $0xFFFFFFFF  }
0xa5: {  	s26 =	simm.s32 $execute0_lowered;
	[smem:$0x3FD2] =	sst s25  }
0xa6: {  	s5 =	sshll.u32 s26, $0x1;
	_ =	strace $0x80000046;
	[dreg:$0x1] =	wrdreg $0xFFFFFFFF  }
0xa7: {  	s28 =	simm.s32 $_size_execute0_lowered;
	s3 =	sadd.s32 s3, s5;
	[dreg:$0x0] =	wrdreg $0x0  }
0xa8: {  	s5 =	sshll.u32 s28, $0x1;
	[dreg:$0x2] =	wrdreg s3  }
0xa9: {  	[dreg:$0x3] =	wrdreg s5  }
0xaa: {  	[dreg:$0x4] =	wrdreg $0xC0  }
0xab: {  	_ =	task [dreg:s7], $0x5FFFF  }
0xac: {  	[dreg:$0x1] =	wrdreg $0xFFFFFFFF  }
0xad: {  	[dreg:$0x0] =	wrdreg $0x60  }
0xae: {  	[dreg:$0x2] =	wrdreg s2  }
0xaf: {  	[dreg:$0x3] =	wrdreg s24  }
0xb0: {  	[dreg:$0x4] =	wrdreg $0x104000  }
0xb1: {  	[dreg:$0x5] =	wrdreg $0x9  }
0xb2: {  	_ =	task.clear_ibuf [dreg:s7], $0x6FFFF;
	_ =	strace $0x90000046  }
0xb3: {  	s29 =	simm.s32 $0x9;
	_ =	strace $0x80000048  }
0xb4: {  	_ =	swait.ge [sflag:s29], $0x1  }
0xb5: {  	[sflag:s29] =	ssyncadd.s32 $0xFFFFFFFF  }
0xb6: {  	_ =	strace $0x90000048  }
0xb7: {  	_ =	sfence  }
0xb8: {  	s30 =	sld [smem:$0x0];
	_ =	sdelay $0x2  }
0xb9: {  	s31 =	sshll.u32 s1, $0xD;
	s1 =	sshrl.u32 s1, $0x2  }
0xba: {  	s3 =	sand.u32 $0x4000, s31;
	s1 =	sadd.s32 s1, s30  }
0xbb: {  	s0 =	sor.u32 s3, s0;
	s1 =	sshll.u32 s1, $0x11  }
0xbc: {  	s0 =	sor.u32 s1, s0  }
0xbd: {  	s0 =	sadd.s32 $0x8F2B, s0  }
0xbe: {  	[sflag:s0] =	ssyncadd.remote.s32 $0x1  }
0xbf: {  	_ =	sfence.sel $0xFFFF  }
0xc0: {  	[dreg:$0x0] =	wrdreg $0xFFFFFFFF;
	(pc) =	sbr.abs _section_cstart, $3  }
0xc1: {  	[dreg:$0x1] =	wrdreg $0xFFFFFFFF  }
0xc2: {  	_ =	task.clear_ibuf [dreg:s7], $0x2FFFF;
	_ =	strace $0x9FFFFFFF  }
0xc3: {  	(tm) =	ssettm $0x7FFFFFFF  }
tec
execute0_lowered:
.L_overlay_start_1:
0x0: {  	(tag) =	ssettag $0x1  }
0x1: {  	s0 =	rddreg [dreg:$0x0]  }
0x2: {  	s1 =	srdreg.scid;
	s3 =	stileid.u32  }
0x3: {  	s4 =	rddreg [dreg:$0x1];
	s12 =	simm.s32 $0x80;
	s13 =	simm.s32 $0x400  }
0x4: {  	s30 =	simm.s32 $0x2400;
	s14 =	simm.s32 $0x100;
	s15 =	simm.s32 $0x4400  }
0x5: {  	s16 =	simm.s32 $0x180;
	s17 =	simm.s32 $0x6400;
	s18 =	simm.s32 $0x3  }
0x6: {  	s19 =	simm.s32 $0x40;
	s28 =	simm.s32 $0xE400;
	s31 =	simm.s32 $0x0  }
0x7: {  	s5 =	sand.u32 $0x1, s1;
	s2 =	sshll.u32 s3, $0x1;
	s7 =	smul.u32 $0x1900000, s3  }
0x8: {  	s1 =	rddreg [dreg:$0x2];
	s9 =	sadd.s32 $0x800, s4;
	s10 =	smul.u32 $0x32000, s3  }
0x9: {  	s4 =	sadd.s32 $0xA00, s4;
	s6 =	sor.u32 s5, s2;
	s8 =	smul.u32 $0xC80000, s5  }
0xa: {  	s2 =	simm.s32 $0x0;
	s20 =	ssub.s32 $0x2, s5;
	s5 =	smul.u32 $0x19000, s5  }
0xb: {  	p0 =	sne.s32 s3, $0x0;
	s6 =	smul.u32 $0x19000, s6;
	[smem:$0x7FF] =	sst s2  }
0xc: {  	s11 =	sshrl.u32 s20, $0x1;
	_ =	strace $0x80000047;
	[dreg:$0x7] =	wrdreg s9  }
0xd: {  	s9 =	ssub.s32 s20, s11;
	s7 =	sadd.s32 s8, s7;
	s5 =	sadd.s32 s5, s10  }
0xe: {  	s10 =	simm.s32 $0x200;
	s11 =	simm.s32 $0x1;
	[dreg:$0x6] =	wrdreg s30  }
0xf: {  	s20 =	simm.s32 $0x2;
	s6 =	sshrl.u32 s6, $0x3;
	s22 =	sshrl.u32 s7, $0x3  }
0x10: {  	s24 =	sshll.u32 s5, $0x4;
	s25 =	smax.u32 s9, $0x1;
	s26 =	sor.u32 $0x600, s5  }
0x11: {  	s5 =	sor.u32 $0x400, s5;
	s21 =	sadd.s32 s0, s6;
	s6 =	sadd.s32 s22, s4  }
0x12: {  	[dreg:$0xa] =	wrdreg s25;
	s4 =	sadd.s32 s24, s4;
	s29 =	sshrl.u32 s26, $0x3  }
0x13: {  	s5 =	sshrl.u32 s5, $0x3;
	s22 =	simm.s32 $0x280;
	[dreg:$0x8] =	wrdreg s21  }
0x14: {  	s24 =	simm.s32 $0x300;
	s23 =	sadd.s32 $0x40, s21;
	[dreg:$0x4] =	wrdreg s6  }
0x15: {  	s25 =	simm.s32 $0xC400;
	s4 =	sadd.s32 $0x2000, s4;
	[dreg:$0x9] =	wrdreg s23  }
0x16: {  	s26 =	simm.s32 $0x380;
	[dreg:$0x5] =	wrdreg s4;
	s4 =	sadd.s32 s29, s0  }
0x17: {  	s8 =	sadd.s32 s5, s0;
	s0 =	sshrl.u32 @!p0 s1, $0x3;
	[dreg:$0xb] =	wrdreg s4  }
0x18: {  	s21 =	simm.s32 $0x8400;
	s23 =	simm.s32 $0xA400;
	[dreg:$0xc] =	wrdreg s0  }
.LBB2_1:
0x19: {  	s3 =	rddreg [dreg:$0x7]  }
0x1a: {  	s0 =	simm.s32 @!p0 $0x1C06;
	s4 =	rddreg [dreg:$0xc]  }
0x1b: {  	[spmem:s4], [sflag:s0] =	dma.local @!p0 [hbm:s3], $0x40  }
0x1c: {  	s0 =	simm.s32 @!p0 $0x6  }
0x1d: {  	_ =	swait.ge @!p0 [sflag:s0], $0x40  }
0x1e: {  	[sflag:s0] =	ssyncset.done @!p0 $0x0  }
0x1f: {  	[sflag:s0] =	ssyncadd.s32 @!p0 $0xFFFFFFC0  }
0x20: {  	[bflag:$0x0] =	sbarrier.arrive $0xFFFF  }
0x21: {  	p1 =	por $0x1, $0x1;
	s6 =	rddreg [dreg:$0x8]  }
0x22: {  	[tilespmem:s2], [sflag:$0x1] =	stream.linear.gather [hbm4b:s6+s2], $0x200, $0x38;
	[tilespmem:$0x10420] =	vst v63  }
0x23: {  	s0 =	simm.s32 @!p1 $0x4;
	s7 =	rddreg [dreg:$0x9]  }
0x24: {  	[tilespmem:s10], [sflag:$0x2] =	stream.linear.gather [hbm4b:s7+s2], $0x200, $0x38;
	[tilespmem:$0x10420] =	vst v63  }
0x25: {  	_ =	swait.ge @!p1 [sflag:s0], $0x8000  }
0x26: {  	[sflag:s0] =	ssyncset.done @!p1 $0x0  }
0x27: {  	[sflag:s0] =	ssyncadd.s32 @!p1 $0xFFFF8000  }
0x28: {  	_ =	swait.ge [sflag:s11], $0x200  }
0x29: {  	[sflag:s11] =	ssyncset.done $0x0  }
0x2a: {  	[sflag:s11] =	ssyncadd.s32 $0xFFFFFE00  }
0x2b: {  	[tilespmem:s13], [sflag:$0x3] =	stream.indirect.gather [spmem:s1], $0x40, s2, s12, $0xb8;
	[tilespmem:$0x10420] =	vst v63  }
0x2c: {  	s9 =	rddreg [dreg:$0x6]  }
0x2d: {  	[tilespmem:s9], [sflag:$0x3] =	stream.indirect.gather [spmem:s1], $0x40, s12, s12, $0xb8;
	[tilespmem:$0x10420] =	vst v63  }
0x2e: {  	_ = 	snop  }
0x2f: {  	[tilespmem:s15], [sflag:$0x3] =	stream.indirect.gather [spmem:s1], $0x40, s14, s12, $0xb8;
	[tilespmem:$0x10420] =	vst v63  }
0x30: {  	_ = 	snop  }
0x31: {  	[tilespmem:s17], [sflag:$0x3] =	stream.indirect.gather [spmem:s1], $0x40, s16, s12, $0xb8;
	[tilespmem:$0x10420] =	vst v63  }
0x32: {  	_ =	swait.ge [sflag:s18], $0x2000  }
0x33: {  	[sflag:s18] =	ssyncset.done $0x0  }
0x34: {  	[sflag:s18] =	ssyncadd.s32 $0xFFFFE000  }
0x35: {  	_ =	swait.ge [sflag:s18], $0x2000  }
0x36: {  	[sflag:s18] =	ssyncset.done $0x0  }
0x37: {  	[sflag:s18] =	ssyncadd.s32 $0xFFFFE000  }
0x38: {  	_ =	swait.ge [sflag:s18], $0x2000  }
0x39: {  	[sflag:s18] =	ssyncset.done $0x0  }
0x3a: {  	[sflag:s18] =	ssyncadd.s32 $0xFFFFE000  }
0x3b: {  	_ =	swait.ge [sflag:s18], $0x2000  }
0x3c: {  	p2 =	por $0x0, $0x0;
	[sflag:s18] =	ssyncset.done $0x0  }
0x3d: {  	s3 =	simm.s32 @!p2 $0x0;
	s30 =	rddreg [dreg:$0x4];
	[sflag:s18] =	ssyncadd.s32 $0xFFFFE000  }
0x3e: {  	[tilespmem:s3], [sflag:$0x1] =	stream.linear.gather @!p2 [hbm4b:s8+s3], $0x200, $0x38;
	[tilespmem:$0x10420] =	vst v63  }
0x3f: {  	s4 =	simm.s32 @!p1 $0x5;
	s0 =	sadd.s32 $0x0, s30  }
0x40: {  	[hbm4b:s0+s19] =	stream.strided.scatter [tilespmem:s13], [sflag:$0x4], $0x8000, s12, s19, $0x38;
	[tilespmem:$0x10420] =	vst v63  }
0x41: {  	_ =	swait.ge @!p1 [sflag:s4], $0x8000  }
0x42: {  	[sflag:s4] =	ssyncset.done @!p1 $0x0  }
0x43: {  	[sflag:s4] =	ssyncadd.s32 @!p1 $0xFFFF8000  }
0x44: {  	_ =	swait.ge [sflag:s20], $0x200  }
0x45: {  	[sflag:s20] =	ssyncset.done $0x0  }
0x46: {  	[sflag:s20] =	ssyncadd.s32 $0xFFFFFE00  }
0x47: {  	[tilespmem:s21], [sflag:$0x3] =	stream.indirect.gather [spmem:s1], $0x40, s10, s12, $0xb8;
	[tilespmem:$0x10420] =	vst v63  }
0x48: {  	_ = 	snop  }
0x49: {  	[tilespmem:s23], [sflag:$0x3] =	stream.indirect.gather [spmem:s1], $0x40, s22, s12, $0xb8;
	[tilespmem:$0x10420] =	vst v63  }
0x4a: {  	_ = 	snop  }
0x4b: {  	[tilespmem:s25], [sflag:$0x3] =	stream.indirect.gather [spmem:s1], $0x40, s24, s12, $0xb8;
	[tilespmem:$0x10420] =	vst v63  }
0x4c: {  	_ = 	snop  }
0x4d: {  	[tilespmem:s28], [sflag:$0x3] =	stream.indirect.gather [spmem:s1], $0x40, s26, s12, $0xb8;
	[tilespmem:$0x10420] =	vst v63  }
0x4e: {  	_ =	swait.ge [sflag:s18], $0x2000  }
0x4f: {  	[sflag:s18] =	ssyncset.done $0x0  }
0x50: {  	[sflag:s18] =	ssyncadd.s32 $0xFFFFE000  }
0x51: {  	_ =	swait.ge [sflag:s18], $0x2000  }
0x52: {  	[sflag:s18] =	ssyncset.done $0x0  }
0x53: {  	[sflag:s18] =	ssyncadd.s32 $0xFFFFE000  }
0x54: {  	_ =	swait.ge [sflag:s18], $0x2000  }
0x55: {  	[sflag:s18] =	ssyncset.done $0x0  }
0x56: {  	[sflag:s18] =	ssyncadd.s32 $0xFFFFE000  }
0x57: {  	s5 =	sadd.s32 $0x80, s8;
	s6 =	simm.s32 $0x8000;
	_ =	swait.ge [sflag:s18], $0x2000  }
0x58: {  	s0 =	simm.s32 $0x4000;
	s4 =	simm.s32 @!p2 $0x200;
	[sflag:s18] =	ssyncset.done $0x0  }
0x59: {  	p1 =	por $0x0, $0x0;
	s7 =	rddreg [dreg:$0xb];
	[sflag:s18] =	ssyncadd.s32 $0xFFFFE000  }
0x5a: {  	[tilespmem:s4], [sflag:$0x2] =	stream.linear.gather @!p2 [hbm4b:s7+s3], $0x200, $0x38;
	[tilespmem:$0x10420] =	vst v63  }
0x5b: {  	s29 =	rddreg [dreg:$0x5];
	s3 =	sadd.s32 $0x80, s7;
	s4 =	simm.s32 $0x0  }
.LBB2_2:
0x5c: {  	s30 =	simm.s32 @!p1 $0x4;
	s29 =	sadd.s32 s4, s29  }
0x5d: {  	[hbm4b:s29+s19] =	stream.strided.scatter [tilespmem:s21], [sflag:$0x5], $0x8000, s12, s19, $0x38;
	[tilespmem:$0x10420] =	vst v63  }
0x5e: {  	_ =	swait.ge @!p1 [sflag:s30], $0x8000  }
0x5f: {  	[sflag:s30] =	ssyncset.done @!p1 $0x0  }
0x60: {  	[sflag:s30] =	ssyncadd.s32 @!p1 $0xFFFF8000  }
0x61: {  	_ =	swait.ge [sflag:s11], $0x200  }
0x62: {  	[sflag:s11] =	ssyncset.done $0x0  }
0x63: {  	[sflag:s11] =	ssyncadd.s32 $0xFFFFFE00  }
0x64: {  	[tilespmem:s13], [sflag:$0x3] =	stream.indirect.gather [spmem:s1], $0x40, s2, s12, $0xb8;
	[tilespmem:$0x10420] =	vst v63  }
0x65: {  	s29 =	rddreg [dreg:$0x6]  }
0x66: {  	[tilespmem:s29], [sflag:$0x3] =	stream.indirect.gather [spmem:s1], $0x40, s12, s12, $0xb8;
	[tilespmem:$0x10420] =	vst v63  }
0x67: {  	_ = 	snop  }
0x68: {  	[tilespmem:s15], [sflag:$0x3] =	stream.indirect.gather [spmem:s1], $0x40, s14, s12, $0xb8;
	[tilespmem:$0x10420] =	vst v63  }
0x69: {  	_ = 	snop  }
0x6a: {  	[tilespmem:s17], [sflag:$0x3] =	stream.indirect.gather [spmem:s1], $0x40, s16, s12, $0xb8;
	[tilespmem:$0x10420] =	vst v63  }
0x6b: {  	_ =	swait.ge [sflag:s18], $0x2000  }
0x6c: {  	[sflag:s18] =	ssyncset.done $0x0  }
0x6d: {  	[sflag:s18] =	ssyncadd.s32 $0xFFFFE000  }
0x6e: {  	_ =	swait.ge [sflag:s18], $0x2000  }
0x6f: {  	[sflag:s18] =	ssyncset.done $0x0  }
0x70: {  	[sflag:s18] =	ssyncadd.s32 $0xFFFFE000  }
0x71: {  	_ =	swait.ge [sflag:s18], $0x2000  }
0x72: {  	[sflag:s18] =	ssyncset.done $0x0  }
0x73: {  	[sflag:s18] =	ssyncadd.s32 $0xFFFFE000  }
0x74: {  	s4 =	smov.u32 s0;
	_ =	swait.ge [sflag:s18], $0x2000  }
0x75: {  	p3 =	seq.s32 s4, $0x18C000;
	[sflag:s18] =	ssyncset.done $0x0  }
0x76: {  	s30 =	simm.s32 @!p3 $0x0;
	s29 =	rddreg [dreg:$0x4];
	[sflag:s18] =	ssyncadd.s32 $0xFFFFE000  }
0x77: {  	[tilespmem:s30], [sflag:$0x1] =	stream.linear.gather @!p3 [hbm4b:s5+s30], $0x200, $0x38;
	[tilespmem:$0x10420] =	vst v63  }
0x78: {  	s7 =	simm.s32 @!p1 $0x5;
	s29 =	sadd.s32 s4, s29  }
0x79: {  	[hbm4b:s29+s19] =	stream.strided.scatter [tilespmem:s13], [sflag:$0x4], $0x8000, s12, s19, $0x38;
	[tilespmem:$0x10420] =	vst v63  }
0x7a: {  	_ =	swait.ge @!p1 [sflag:s7], $0x8000  }
0x7b: {  	[sflag:s7] =	ssyncset.done @!p1 $0x0  }
0x7c: {  	[sflag:s7] =	ssyncadd.s32 @!p1 $0xFFFF8000  }
0x7d: {  	_ =	swait.ge [sflag:s20], $0x200  }
0x7e: {  	[sflag:s20] =	ssyncset.done $0x0  }
0x7f: {  	[sflag:s20] =	ssyncadd.s32 $0xFFFFFE00  }
0x80: {  	[tilespmem:s21], [sflag:$0x3] =	stream.indirect.gather [spmem:s1], $0x40, s10, s12, $0xb8;
	[tilespmem:$0x10420] =	vst v63  }
0x81: {  	_ = 	snop  }
0x82: {  	[tilespmem:s23], [sflag:$0x3] =	stream.indirect.gather [spmem:s1], $0x40, s22, s12, $0xb8;
	[tilespmem:$0x10420] =	vst v63  }
0x83: {  	_ = 	snop  }
0x84: {  	[tilespmem:s25], [sflag:$0x3] =	stream.indirect.gather [spmem:s1], $0x40, s24, s12, $0xb8;
	[tilespmem:$0x10420] =	vst v63  }
0x85: {  	_ = 	snop  }
0x86: {  	[tilespmem:s28], [sflag:$0x3] =	stream.indirect.gather [spmem:s1], $0x40, s26, s12, $0xb8;
	[tilespmem:$0x10420] =	vst v63  }
0x87: {  	_ =	swait.ge [sflag:s18], $0x2000  }
0x88: {  	[sflag:s18] =	ssyncset.done $0x0  }
0x89: {  	[sflag:s18] =	ssyncadd.s32 $0xFFFFE000  }
0x8a: {  	_ =	swait.ge [sflag:s18], $0x2000  }
0x8b: {  	[sflag:s18] =	ssyncset.done $0x0  }
0x8c: {  	[sflag:s18] =	ssyncadd.s32 $0xFFFFE000  }
0x8d: {  	s0 =	smov.u32 s6;
	s6 =	sadd.s32 $0x4000, s6;
	_ =	swait.ge [sflag:s18], $0x2000  }
0x8e: {  	p2 =	sne.s32 s6, $0x190000;
	[sflag:s18] =	ssyncset.done $0x0  }
.Ltmp0:
0x8f: {  	[sflag:s18] =	ssyncadd.s32 $0xFFFFE000;
	(pc) =	sbr.rel @p2 .LBB2_2-.Ltmp0, $4  }
0x90: {  	s9 =	smov.u32 s3;
	s3 =	sadd.s32 $0x80, s3;
	_ =	swait.ge [sflag:s18], $0x2000  }
0x91: {  	s5 =	sadd.s32 $0x80, s5;
	p1 =	seq.s32 s0, $0x0;
	[sflag:s18] =	ssyncset.done $0x0  }
0x92: {  	s7 =	simm.s32 @!p3 $0x200;
	s29 =	rddreg [dreg:$0x5];
	[sflag:s18] =	ssyncadd.s32 $0xFFFFE000  }
0x93: {  	[tilespmem:s7], [sflag:$0x2] =	stream.linear.gather @!p3 [hbm4b:s9+s30], $0x200, $0x38;
	[tilespmem:$0x10420] =	vst v63  }
0x94: {  	s4 =	sadd.s32 s4, s29;
	s6 =	simm.s32 @!p1 $0x4  }
0x95: {  	[hbm4b:s4+s19] =	stream.strided.scatter [tilespmem:s21], [sflag:$0x5], $0x8000, s12, s19, $0x38;
	[tilespmem:$0x10420] =	vst v63  }
0x96: {  	_ =	swait.ge @!p1 [sflag:s6], $0x8000  }
0x97: {  	[sflag:s6] =	ssyncset.done @!p1 $0x0  }
0x98: {  	[sflag:s6] =	ssyncadd.s32 @!p1 $0xFFFF8000  }
0x99: {  	_ =	swait.ge [sflag:s11], $0x200  }
0x9a: {  	[sflag:s11] =	ssyncset.done $0x0  }
0x9b: {  	[sflag:s11] =	ssyncadd.s32 $0xFFFFFE00  }
0x9c: {  	[tilespmem:s13], [sflag:$0x3] =	stream.indirect.gather [spmem:s1], $0x40, s2, s12, $0xb8;
	[tilespmem:$0x10420] =	vst v63  }
0x9d: {  	s9 =	rddreg [dreg:$0x6]  }
0x9e: {  	[tilespmem:s9], [sflag:$0x3] =	stream.indirect.gather [spmem:s1], $0x40, s12, s12, $0xb8;
	[tilespmem:$0x10420] =	vst v63  }
0x9f: {  	_ = 	snop  }
0xa0: {  	[tilespmem:s15], [sflag:$0x3] =	stream.indirect.gather [spmem:s1], $0x40, s14, s12, $0xb8;
	[tilespmem:$0x10420] =	vst v63  }
0xa1: {  	_ = 	snop  }
0xa2: {  	[tilespmem:s17], [sflag:$0x3] =	stream.indirect.gather [spmem:s1], $0x40, s16, s12, $0xb8;
	[tilespmem:$0x10420] =	vst v63  }
0xa3: {  	_ =	swait.ge [sflag:s18], $0x2000  }
0xa4: {  	[sflag:s18] =	ssyncset.done $0x0  }
0xa5: {  	[sflag:s18] =	ssyncadd.s32 $0xFFFFE000  }
0xa6: {  	_ =	swait.ge [sflag:s18], $0x2000  }
0xa7: {  	[sflag:s18] =	ssyncset.done $0x0  }
0xa8: {  	[sflag:s18] =	ssyncadd.s32 $0xFFFFE000  }
0xa9: {  	_ =	swait.ge [sflag:s18], $0x2000  }
0xaa: {  	[sflag:s18] =	ssyncset.done $0x0  }
0xab: {  	[sflag:s18] =	ssyncadd.s32 $0xFFFFE000  }
0xac: {  	_ =	swait.ge [sflag:s18], $0x2000  }
0xad: {  	p2 =	seq.s32 s0, $0x18C000;
	[sflag:s18] =	ssyncset.done $0x0  }
0xae: {  	s6 =	simm.s32 @!p2 $0x0;
	s29 =	rddreg [dreg:$0x4];
	[sflag:s18] =	ssyncadd.s32 $0xFFFFE000  }
0xaf: {  	[tilespmem:s6], [sflag:$0x1] =	stream.linear.gather @!p2 [hbm4b:s5+s6], $0x200, $0x38;
	[tilespmem:$0x10420] =	vst v63  }
0xb0: {  	s4 =	sadd.s32 s0, s29;
	s5 =	simm.s32 @!p1 $0x5  }
0xb1: {  	[hbm4b:s4+s19] =	stream.strided.scatter [tilespmem:s13], [sflag:$0x4], $0x8000, s12, s19, $0x38;
	[tilespmem:$0x10420] =	vst v63  }
0xb2: {  	_ =	swait.ge @!p1 [sflag:s5], $0x8000  }
0xb3: {  	[sflag:s5] =	ssyncset.done @!p1 $0x0  }
0xb4: {  	[sflag:s5] =	ssyncadd.s32 @!p1 $0xFFFF8000  }
0xb5: {  	_ =	swait.ge [sflag:s20], $0x200  }
0xb6: {  	[sflag:s20] =	ssyncset.done $0x0  }
0xb7: {  	[sflag:s20] =	ssyncadd.s32 $0xFFFFFE00  }
0xb8: {  	[tilespmem:s21], [sflag:$0x3] =	stream.indirect.gather [spmem:s1], $0x40, s10, s12, $0xb8;
	[tilespmem:$0x10420] =	vst v63  }
0xb9: {  	_ = 	snop  }
0xba: {  	[tilespmem:s23], [sflag:$0x3] =	stream.indirect.gather [spmem:s1], $0x40, s22, s12, $0xb8;
	[tilespmem:$0x10420] =	vst v63  }
0xbb: {  	_ = 	snop  }
0xbc: {  	[tilespmem:s25], [sflag:$0x3] =	stream.indirect.gather [spmem:s1], $0x40, s24, s12, $0xb8;
	[tilespmem:$0x10420] =	vst v63  }
0xbd: {  	_ = 	snop  }
0xbe: {  	[tilespmem:s28], [sflag:$0x3] =	stream.indirect.gather [spmem:s1], $0x40, s26, s12, $0xb8;
	[tilespmem:$0x10420] =	vst v63  }
0xbf: {  	_ =	swait.ge [sflag:s18], $0x2000  }
0xc0: {  	[sflag:s18] =	ssyncset.done $0x0  }
0xc1: {  	[sflag:s18] =	ssyncadd.s32 $0xFFFFE000  }
0xc2: {  	_ =	swait.ge [sflag:s18], $0x2000  }
0xc3: {  	[sflag:s18] =	ssyncset.done $0x0  }
0xc4: {  	[sflag:s18] =	ssyncadd.s32 $0xFFFFE000  }
0xc5: {  	_ =	swait.ge [sflag:s18], $0x2000  }
0xc6: {  	[sflag:s18] =	ssyncset.done $0x0  }
0xc7: {  	[sflag:s18] =	ssyncadd.s32 $0xFFFFE000  }
0xc8: {  	_ =	swait.ge [sflag:s18], $0x2000  }
0xc9: {  	[sflag:s18] =	ssyncset.done $0x0  }
0xca: {  	s5 =	simm.s32 @!p2 $0x200;
	s30 =	rddreg [dreg:$0x5];
	[sflag:s18] =	ssyncadd.s32 $0xFFFFE000  }
0xcb: {  	[tilespmem:s5], [sflag:$0x2] =	stream.linear.gather @!p2 [hbm4b:s3+s6], $0x200, $0x38;
	[tilespmem:$0x10420] =	vst v63  }
0xcc: {  	s9 =	simm.s32 $0x4;
	s7 =	sadd.s32 s0, s30  }
0xcd: {  	[hbm4b:s7+s19] =	stream.strided.scatter [tilespmem:s21], [sflag:$0x5], $0x8000, s12, s19, $0x38;
	[tilespmem:$0x10420] =	vst v63  }
0xce: {  	_ =	swait.ge [sflag:s9], $0x8000  }
0xcf: {  	[sflag:s9] =	ssyncset.done $0x0  }
0xd0: {  	s29 =	simm.s32 $0x5;
	[sflag:s9] =	ssyncadd.s32 $0xFFFF8000  }
0xd1: {  	_ =	swait.ge [sflag:s29], $0x8000  }
0xd2: {  	s31 =	sadd.s32 $0x1, s31;
	s30 =	rddreg [dreg:$0xa]  }
0xd3: {  	p1 =	sne.s32 s31, s30  }
.Ltmp1:
0xd4: {  	_ = 	snop;
	(pc) =	sbr.rel @p1 .LBB2_1-.Ltmp1, $3  }
0xd5: {  	_ =	sdelay $0x1  }
0xd6: {  	[sflag:s29] =	ssyncset.done $0x0  }
0xd7: {  	[sflag:s29] =	ssyncadd.s32 $0xFFFF8000  }
0xd8: {  	_ =	sfence.sel $0x180000  }
0xd9: {  	[bflag:$0x0] =	sbarrier.arrive $0xFFFF  }
0xda: {  	_ =	strace $0x90000047  }
0xdb: {  	[bflag:$0x2] =	sbarrier.arrive $0xFFFF  }
0xdc: {  	s0 =	rddreg [dreg:$0x3]  }
0xdd: {  	s0 =	sadd.s32 @!p0 $0x100000, s0  }
0xde: {  	[sflag:s0] =	ssyncadd.tile.s32 @!p0 $0x1;
	_ =	shalt  }
.Lfunc_end2:
_tile_overlayer_lowered:
.L_overlay_start_2:
0xdf: {  	(tag) =	ssettag $0x2  }
0xe0: {  	s0 =	rddreg [dreg:$0x0];
	s2 =	stileid.u32  }
0xe1: {  	s1 =	rddreg [dreg:$0x1];
	p0 =	sne.s32 s2, $0x0  }
0xe2: {  	s3 =	rddreg [dreg:$0x2];
	[bflag:$0x3] =	sbarrier.arrive $0xFFFF;
	s2 =	simm.s32 @!p0 $0x1C06  }
0xe3: {  	[timem:s3], [sflag:s2] =	dma.local @!p0 [hbm:s0], s1  }
0xe4: {  	s0 =	simm.s32 @!p0 $0x6  }
0xe5: {  	_ =	swait.ge @!p0 [sflag:s0], s1  }
0xe6: {  	s1 =	ssub.s32 @!p0 $0x0, s1;
	[sflag:s0] =	ssyncset.done @!p0 $0x0  }
0xe7: {  	[sflag:s0] =	ssyncadd.s32 @!p0 s1  }
0xe8: {  	[bflag:$0x3] =	sbarrier.arrive $0xFFFF  }
0xe9: {  	_ =	shalt  }

// kernel: sparse-core-data-format-call.cloned.1.call-start
scs
called_computation_lowered:
.L_overlay_start_0:
0x0: {  	s2 =	sld [smem:$0x3FD9]  }
0x1: {  	s3 =	sld [smem:$0x3FFE];
	_ =	sdelay $0x1  }
0x2: {  	s1 =	srdreg.scid  }
0x3: {  	s0 =	sand.u32 $0x1, s1  }
0x4: {  	s18 =	sshll.u32 s0, $0xA;
	s2 =	sadd.s32 s3, s2  }
0x5: {  	s2 =	sadd.s32 s2, s18  }
0x6: {  	[smem:$0x3FC6] =	sst s2  }
0x7: {  	_ = 	snop  }
0x8: {  	s2 =	sld [smem:$0x3FD0];
	(tm) =	ssettm $0x1  }
0x9: {  	s19 =	sld [smem:$0x3FFB];
	_ =	sdelay $0x3  }
0xa: {  	_ =	strace s19  }
0xb: {  	s3 =	sld [smem:$0x3FFC];
	_ =	sdelay $0x3  }
0xc: {  	_ =	strace s3  }
0xd: {  	s3 =	sld [smem:$0x3FFD];
	_ =	sdelay $0x3  }
0xe: {  	_ =	strace s3  }
0xf: {  	_ =	strace $0x8FFFFFFF  }
0x10: {  	s20 =	sld [smem:$0x3FDB];
	_ =	sdelay $0x1  }
0x11: {  	s4 =	simm.s32 $_scs_section_size  }
0x12: {  	s5 =	simm.s32 $_size__tile_overlayer_lowered;
	s6 =	simm.s32 $_tile_overlayer_lowered  }
0x13: {  	s23 =	simm.s32 $0x1BFF;
	s22 =	sshll.u32 s6, $0x1;
	s3 =	sadd.s32 s4, s20  }
0x14: {  	s7 =	simm.s32 $0x0;
	s21 =	sshll.u32 s5, $0x1;
	s5 =	sadd.s32 s22, s3  }
0x15: {  	[timem:s7], [sflag:s23] =	dma.local [hbm:s5], s21  }
0x16: {  	_ =	swait.ge [sflag:s23], s21  }
0x17: {  	s4 =	ssub.s32 $0x0, s21;
	[sflag:s23] =	ssyncset.done $0x0  }
0x18: {  	[sflag:s23] =	ssyncadd.s32 s4;
	_ =	sdelay $0x1  }
0x19: {  	s24 =	simm.s32 $0x1B8B  }
0x1a: {  	_ =	swait.ge [sflag:s24], $0x1  }
0x1b: {  	[sflag:s24] =	ssyncset.done $0x0  }
0x1c: {  	s26 =	simm.s32 $0x1B8E;
	s25 =	sld [smem:$0x3FFE];
	[sflag:s24] =	ssyncadd.s32 $0xFFFFFFFF  }
0x1d: {  	s27 =	simm.s32 $execute0_lowered;
	[smem:$0x3FD2] =	sst s26  }
0x1e: {  	s5 =	sshll.u32 s27, $0x1;
	_ =	strace $0x80000049;
	[dreg:$0x1] =	wrdreg $0xFFFFFFFF  }
0x1f: {  	s28 =	simm.s32 $_size_execute0_lowered;
	s3 =	sadd.s32 s3, s5;
	[dreg:$0x0] =	wrdreg $0x0  }
0x20: {  	s5 =	sshll.u32 s28, $0x1;
	[dreg:$0x2] =	wrdreg s3  }
0x21: {  	[dreg:$0x3] =	wrdreg s5  }
0x22: {  	[dreg:$0x4] =	wrdreg $0xC0  }
0x23: {  	_ =	task [dreg:s7], $0x5FFFF  }
0x24: {  	[dreg:$0x1] =	wrdreg $0xFFFFFFFF  }
0x25: {  	[dreg:$0x0] =	wrdreg $0x60  }
0x26: {  	[dreg:$0x2] =	wrdreg s25  }
0x27: {  	[dreg:$0x3] =	wrdreg s2  }
0x28: {  	[dreg:$0x4] =	wrdreg $0x9  }
0x29: {  	_ =	task.clear_ibuf [dreg:s7], $0x5FFFF;
	_ =	strace $0x90000049  }
0x2a: {  	s29 =	simm.s32 $0x9;
	_ =	strace $0x8000004B  }
0x2b: {  	_ =	swait.ge [sflag:s29], $0x1  }
0x2c: {  	[sflag:s29] =	ssyncadd.s32 $0xFFFFFFFF  }
0x2d: {  	_ =	strace $0x9000004B  }
0x2e: {  	_ =	sfence  }
0x2f: {  	s30 =	sld [smem:$0x0];
	_ =	sdelay $0x2  }
0x30: {  	s31 =	sshll.u32 s1, $0xD;
	s1 =	sshrl.u32 s1, $0x2  }
0x31: {  	s3 =	sand.u32 $0x4000, s31;
	s1 =	sadd.s32 s1, s30  }
0x32: {  	s0 =	sor.u32 s3, s0;
	s1 =	sshll.u32 s1, $0x11  }
0x33: {  	s0 =	sor.u32 s1, s0  }
0x34: {  	s0 =	sadd.s32 $0x8F2B, s0  }
0x35: {  	[sflag:s0] =	ssyncadd.remote.s32 $0x1  }
0x36: {  	_ =	sfence.sel $0xFFFF  }
0x37: {  	[dreg:$0x0] =	wrdreg $0xFFFFFFFF;
	(pc) =	sbr.abs _section_cstart, $3  }
0x38: {  	[dreg:$0x1] =	wrdreg $0xFFFFFFFF  }
0x39: {  	_ =	task.clear_ibuf [dreg:s7], $0x2FFFF;
	_ =	strace $0x9FFFFFFF  }
0x3a: {  	(tm) =	ssettm $0x7FFFFFFF  }
0x3b: {  	_ =	shalt  }
tec
execute0_lowered:
.L_overlay_start_1:
0x0: {  	(tag) =	ssettag $0x1  }
0x1: {  	s0 =	srdreg.scid  }
0x2: {  	s1 =	sshll.u32 s0, $0x4  }
0x3: {  	s0 =	stileid.u32;
	s1 =	sand.u32 $0x10, s1  }
0x4: {  	s1 =	sor.u32 s0, s1  }
0x5: {  	s6 =	rddreg [dreg:$0x0];
	s4 =	simm.s32 $0x1;
	s2 =	sshll.u32 s1, $0x7  }
0x6: {  	s7 =	simm.s32 $0x2;
	s12 =	simm.s32 $0x0;
	s1 =	ssub.s32 $0x4000, s2  }
0x7: {  	s8 =	simm.s32 $0x20000;
	s13 =	simm.s32 $0x0;
	s3 =	sand.u32 $0xF80, s1  }
0x8: {  	s9 =	simm.s32 $0x0;
	s5 =	sshrl.u32 s1, $0xC;
	p0 =	sne.s32 s3, $0x0  }
.Ltmp0:
0x9: {  	s1 =	rddreg [dreg:$0x2];
	s4 =	simm.s32 @!p0 $0x0;
	(pc) =	sbr.rel .LBB1_1-.Ltmp0, $4  }
0xa: {  	s11 =	simm.s32 $0x0;
	s3 =	rddreg [dreg:$0x1];
	s5 =	sadd.s32 s4, s5  }
0xb: {  	_ =	strace $0x8000004A;
	s4 =	simm.s32 $0x1;
	s5 =	smul.u32 $0xC8, s5  }
0xc: {  	s6 =	sadd.s32 $0xA00, s6;
	s10 =	smov.u32 s2;
	[sflag:s4] =	ssyncpa.u1 $0x0  }
0xd: {  	p0 =	por $0x0, $0x0;
	[sflag:s7] =	ssyncpa.u1 $0x0;
	s7 =	sor.u32 $0x1, s5  }
.LBB1_4:
0xe: {  	s16 =	sshll.u32 s13, $0x3;
	s17 =	sand.u32 $0x78, s13  }
0xf: {  	s30 =	sand.u32 $0x1F800, s13;
	s12 =	sshll.u32 s12, $0x11;
	s16 =	sand.u32 $0x3C00, s16  }
0x10: {  	[tilespmem:s15+$0x810 ss:$0x81] =	vst.msk $0xffff, v2;
	s31 =	sand.u32 $0x7, s13;
	s16 =	sor.u32 s17, s16;
	s17 =	sadd.s32 s3, s30  }
0x11: {  	[tilespmem:s15+$0x1020 ss:$0x81] =	vst.msk $0xffff, v0;
	s13 =	sshll.u32 s31, $0x12;
	s12 =	sadd.s32 s12, s17;
	s16 =	sshrl.u32 s16, $0x3  }
0x12: {  	[tilespmem:s15+$0x0 ss:$0x81] =	vst.msk $0xffff, v1;
	s13 =	sor.u32 $0x400, s13;
	s12 =	sadd.s32 s16, s12  }
0x13: {  	[hbm4b:s12+s13] =	stream.strided.scatter [tilespmem:s14], [sflag:$0x2], $0x2000, s8, s13, $0x20;
	[tilespmem:$0x8080] =	vst v63  }
.LBB1_5:
0x14: {  	s14 =	sadd.s32 $0x1, s9  }
0x15: {  	s12 =	sadd.s32 $0x1000, s10;
	s16 =	smov.u32 s10;
	p2 =	sgt.s32 s14, $0xC7  }
0x16: {  	s16 =	smov.u32 @p2 s12  }
0x17: {  	s14 =	simm.s32 @p2 $0x0;
	p2 =	sgt.s32 s16, $0x3FFF  }
0x18: {  	s16 =	smov.u32 @p2 s2;
	p2 =	sne.s32 s11, s7  }
.Ltmp1:
0x19: {  	p1 =	slt.u32 s11, $0x2;
	(pc) =	sbr.rel @!p2 .LBB1_6-.Ltmp1, $4  }
0x1a: {  	s15 =	simm.s32 @!p1 $0x2  }
0x1b: {  	s13 =	smov.u32 s10;
	p0 =	por !p0, !p0;
	_ =	swait.ge @!p1 [sflag:s15], $0x2000  }
0x1c: {  	s12 =	smov.u32 s9;
	[sflag:s15] =	ssyncset.done @!p1 $0x0;
	s9 =	smov.u32 s14  }
0x1d: {  	s11 =	sadd.s32 $0x1, s11;
	[sflag:s15] =	ssyncadd.s32 @!p1 $0xFFFFE000;
	s10 =	smov.u32 s16  }
.LBB1_1:
0x1e: {  	p1 =	sge.u32 s11, s5  }
0x1f: {  	s14 =	sand.u32 @!p1 $0x1FFFFFF, s9  }
0x20: {  	s15 =	smulhi.u32 @!p1 $0x147AE15, s14;
	_ =	sdelay $0x1  }
0x21: {  	s15 =	smul.u32 @!p1 $0xC8, s15  }
0x22: {  	s16 =	sxor.u32 @!p1 $0xFFFFFFFF, s11;
	s17 =	smul.u32 @!p1 $0xC80, s10  }
0x23: {  	s31 =	sadd.s32 $0xFFFFFFFF, s11;
	s16 =	sshll.u32 @!p1 s16, $0xD;
	s14 =	ssub.s32 @!p1 s14, s15  }
0x24: {  	s15 =	sand.u32 @!p1 $0x2000, s16;
	s16 =	sadd.s32 @!p1 s6, s17;
	s14 =	sshll.u32 @!p1 s14, $0x4  }
0x25: {  	s17 =	simm.s32 @!p1 $0x6400;
	s14 =	sadd.s32 @!p1 s14, s16;
	s16 =	simm.s32 @!p1 $0x40  }
0x26: {  	[tilespmem:s15], [sflag:$0x1] =	stream.strided.gather @!p1 [hbm4b:s14+s16], $0x2000, s17, s16, $0x38;
	[tilespmem:$0x8080] =	vst v63  }
0x27: {  	p1 =	sge.u32 s31, s5  }
.Ltmp2:
0x28: {  	_ = 	snop;
	(pc) =	sbr.rel @p1 .LBB1_5-.Ltmp2, $1  }
0x29: {  	_ =	sdelay $0x3  }
0x2a: {  	s14 =	simm.s32 $0x1  }
0x2b: {  	_ =	swait.ge [sflag:s4], $0x2000;
	s14 =	simm.s32 @!p0 $0x0  }
0x2c: {  	[sflag:s4] =	ssyncset.done $0x0;
	s15 =	sshll.u32 s14, $0xD  }
0x2d: {  	[sflag:s4] =	ssyncadd.s32 $0xFFFFE000;
	s18 =	sor.u32 $0x20, s15  }
0x2e: {  	s14 =	smul.u32 $0x8100, s14;
	v3 =	vld [tilespmem:s18+$0x10]  }
0x2f: {  	s30 =	sand.u32 $0x1, s11;
	v2 =	vld [tilespmem:s18+$0xFFFFFFF0]  }
0x30: {  	s15 =	smul.u32 $0x8100, s30;
	s14 =	sshrl.u32 s14, $0x2;
	v0 =	vld [tilespmem:s18+$0x0]  }
0x31: {  	v1 =	vld [tilespmem:s18+$0xFFFFFFE0];
	s16 =	sor.u32 $0x4000, s14  }
0x32: {  	s31 =	sshrl.u32 s15, $0x2;
	s15 =	sadd.s32 $0x0, s16  }
0x33: {  	s17 =	simm.s32 $0x4;
	s18 =	sadd.s32 $0x40, s18;
	s14 =	sor.u32 $0x4000, s31;
	[tilespmem:s15+$0x1830 ss:$0x81] =	vst.msk $0xffff, v3  }
.LBB1_3:
0x34: {  	v3 =	vld [tilespmem:s18+$0x10];
	p1 =	sne.s32 s17, $0x1FC;
	[tilespmem:s15+$0x810 ss:$0x81] =	vst.msk $0xffff, v2;
	s19 =	smov.u32 s17;
	s17 =	sadd.s32 $0x4, s17  }
.Ltmp3:
0x35: {  	v2 =	vld [tilespmem:s18+$0xFFFFFFF0];
	[tilespmem:s15+$0x1020 ss:$0x81] =	vst.msk $0xffff, v0;
	(pc) =	sbr.rel @p1 .LBB1_3-.Ltmp3, $4  }
0x36: {  	v0 =	vld [tilespmem:s18+$0x0];
	[tilespmem:s15+$0x0 ss:$0x81] =	vst.msk $0xffff, v1  }
0x37: {  	s15 =	sshra.s32 s19, $0x2;
	v1 =	vld [tilespmem:s18+$0xFFFFFFE0]  }
0x38: {  	s15 =	sadd.s32 s15, s16  }
0x39: {  	s18 =	sadd.s32 $0x40, s18;
	[tilespmem:s15+$0x1830 ss:$0x81] =	vst.msk $0xffff, v3  }
.Ltmp4:
0x3a: {  	_ = 	snop;
	(pc) =	sbr.rel .LBB1_4-.Ltmp4, $1  }
0x3b: {  	_ =	sdelay $0x3  }
.LBB1_6:
0x3c: {  	_ =	sfence.sel $0x180000  }
0x3d: {  	s2 =	simm.s32 $0x1;
	[bflag:$0x0] =	sbarrier.arrive $0xFFFF  }
0x3e: {  	s31 =	simm.s32 $0x2;
	[sflag:s2] =	ssyncpa.u1 $0x1  }
0x3f: {  	[sflag:s31] =	ssyncpa.u1 $0x1  }
0x40: {  	p0 =	sne.s32 s0, $0x0;
	_ =	strace $0x9000004A  }
0x41: {  	s0 =	sadd.s32 @!p0 $0x100000, s1;
	[bflag:$0x2] =	sbarrier.arrive $0xFFFF  }
0x42: {  	[sflag:s0] =	ssyncadd.tile.s32 @!p0 $0x1;
	_ =	shalt  }
.Lfunc_end1:
_tile_overlayer_lowered:
.L_overlay_start_2:
0x43: {  	(tag) =	ssettag $0x2  }
0x44: {  	s0 =	rddreg [dreg:$0x0];
	s2 =	stileid.u32  }
0x45: {  	s1 =	rddreg [dreg:$0x1];
	p0 =	sne.s32 s2, $0x0  }
0x46: {  	s3 =	rddreg [dreg:$0x2];
	[bflag:$0x3] =	sbarrier.arrive $0xFFFF;
	s2 =	simm.s32 @!p0 $0x1C01  }
0x47: {  	[timem:s3], [sflag:s2] =	dma.local @!p0 [hbm:s0], s1  }
0x48: {  	s0 =	simm.s32 @!p0 $0x1  }
0x49: {  	_ =	swait.ge @!p0 [sflag:s0], s1  }
0x4a: {  	s1 =	ssub.s32 @!p0 $0x0, s1;
	[sflag:s0] =	ssyncset.done @!p0 $0x0  }
0x4b: {  	[sflag:s0] =	ssyncadd.s32 @!p0 s1  }
0x4c: {  	[bflag:$0x3] =	sbarrier.arrive $0xFFFF  }
0x4d: {  	_ =	shalt  }

</sc_bundles>
